<compile_context>
chip_gen: v7x
topology: tpu7x:2x2x1
jax: 0.10.2.dev20260603
libtpu: 0.0.44.dev20260713+nightly
codegen_flags: <defaults>
</compile_context>

<pallas_src>
import jax
import jax.numpy as jnp
from jax import lax
from jax.experimental import pallas as pl
from jax.experimental.pallas import tpu as pltpu
from jax.experimental.pallas import tpu_sc as plsc

_SC_INFO = plsc.get_sparse_core_info()
NC = _SC_INFO.num_cores
NS = _SC_INFO.num_subcores
NW = NC * NS

T = 2048
K = 2
E = 8
H = 1024
I = 2048

BM = 256
NB = (T * K) // BM + E
P = NB * BM
BI = 512
NI = I // BI

G = T * K
GC = 32
GR = G // GC
ER = E * GC


def _meta_body(tk_ref, ppos_ref, binfo_ref):
    f32 = jnp.float32
    tk = tk_ref[...]
    tk8 = jnp.tile(tk, (E, 1))
    erow = lax.broadcasted_iota(jnp.int32, (ER, GR), 0) // GC
    oh = (tk8 == erow).astype(f32)
    ii = lax.broadcasted_iota(jnp.int32, (GR, GR), 0)
    jj = lax.broadcasted_iota(jnp.int32, (GR, GR), 1)
    U = (ii <= jj).astype(f32)
    csum = jnp.dot(oh, U, preferred_element_type=f32)
    tot = csum[:, GR - 1:GR]
    ri = lax.broadcasted_iota(jnp.int32, (ER, ER), 0)
    ci = lax.broadcasted_iota(jnp.int32, (ER, ER), 1)
    same_e = (ri // GC) == (ci // GC)
    Mx = (same_e & ((ci % GC) < (ri % GC))).astype(f32)
    Me = same_e.astype(f32)
    rep = (ci % GC) == 0
    Mex = (((ci // GC) < (ri // GC)) & rep).astype(f32)
    Min = (((ci // GC) <= (ri // GC)) & rep).astype(f32)
    excl = jnp.dot(Mx, tot, preferred_element_type=f32)
    gvec = jnp.dot(Me, tot, preferred_element_type=f32)
    nbe = jnp.floor((gvec + (BM - 1)) * (1.0 / BM))
    rs = jnp.dot(Mex, nbe, preferred_element_type=f32) * BM
    cn = jnp.dot(Min, nbe, preferred_element_type=f32)
    pall = csum - 1.0 + excl + rs
    ppos = jnp.sum((oh * pall).reshape(E, GC, GR), axis=0)
    ppos_ref[...] = ppos.astype(jnp.int32)
    bu = jnp.max(cn, keepdims=True)
    bidx = jnp.minimum(
        lax.broadcasted_iota(jnp.int32, (1, GR), 1).astype(f32),
        bu - 1.0)
    rmask = (lax.broadcasted_iota(jnp.int32, (ER, 1), 0) % GC
             == 0).astype(f32)
    be = jnp.sum((cn <= bidx).astype(f32) * rmask, axis=0,
                 keepdims=True)
    binfo_ref[0:1, :] = be.astype(jnp.int32)
    binfo_ref[1:2, :] = jnp.broadcast_to(bu, (1, GR)).astype(jnp.int32)


def _route_metadata(top_k_index):
    tk_cr = top_k_index.reshape(GC, GR).astype(jnp.int32)
    ppos_cr, binfo = pl.pallas_call(
        _meta_body,
        out_shape=(jax.ShapeDtypeStruct((GC, GR), jnp.int32),
                   jax.ShapeDtypeStruct((8, GR), jnp.int32)),
    )(tk_cr)
    ppos = ppos_cr.reshape(G)
    be_arr = jnp.concatenate([binfo[0, :NB], binfo[1, :1]])
    pos = ppos.reshape(T, K)
    return be_arr, pos[:, 0], pos[:, 1]


_TPW = T // NW


def _dispatch_body(hid_hbm, p0_hbm, p1_hbm, w0_hbm, w1_hbm,
                   x_hbm, wp_hbm, rows_v, i0_v, i1_v, w0_v, w1_v, sem):
    wid = lax.axis_index("s") * NC + lax.axis_index("c")
    base = wid * _TPW
    pltpu.sync_copy(hid_hbm.at[pl.ds(base, _TPW)], rows_v)
    pltpu.sync_copy(p0_hbm.at[pl.ds(base, _TPW)], i0_v)
    pltpu.sync_copy(p1_hbm.at[pl.ds(base, _TPW)], i1_v)
    pltpu.sync_copy(w0_hbm.at[pl.ds(base, _TPW)], w0_v)
    pltpu.sync_copy(w1_hbm.at[pl.ds(base, _TPW)], w1_v)
    c0 = pltpu.async_copy(rows_v, x_hbm.at[i0_v], sem)
    c1 = pltpu.async_copy(rows_v, x_hbm.at[i1_v], sem)
    c2 = pltpu.async_copy(w0_v, wp_hbm.at[i0_v], sem)
    c3 = pltpu.async_copy(w1_v, wp_hbm.at[i1_v], sem)
    c0.wait(); c1.wait(); c2.wait(); c3.wait()


def _sc_dispatch(hidden_states, pos0, pos1, w0, w1):
    mesh = plsc.VectorSubcoreMesh(core_axis_name="c", subcore_axis_name="s")
    return pl.kernel(
        _dispatch_body,
        out_type=(jax.ShapeDtypeStruct((P, H), jnp.float32),
                  jax.ShapeDtypeStruct((P,), jnp.float32)),
        mesh=mesh,
        scratch_types=[
            pltpu.VMEM((_TPW, H), jnp.float32),
            pltpu.VMEM((_TPW,), jnp.int32),
            pltpu.VMEM((_TPW,), jnp.int32),
            pltpu.VMEM((_TPW,), jnp.float32),
            pltpu.VMEM((_TPW,), jnp.float32),
            pltpu.SemaphoreType.DMA,
        ],
    )(hidden_states, pos0, pos1, w0, w1)


_CCH = 32


def _combine_body(y_hbm, p0_hbm, p1_hbm, out_hbm, i01_v, b_v, sem):
    wid = lax.axis_index("s") * NC + lax.axis_index("c")
    for c in range(_TPW // _CCH):
        base = wid * _TPW + c * _CCH
        pltpu.sync_copy(p0_hbm.at[pl.ds(base, _CCH)], i01_v.at[pl.ds(0, _CCH)])
        pltpu.sync_copy(p1_hbm.at[pl.ds(base, _CCH)],
                        i01_v.at[pl.ds(_CCH, _CCH)])
        pltpu.async_copy(y_hbm.at[i01_v], b_v, sem).wait()

        @plsc.parallel_loop(0, _CCH * (H // 16), 1, unroll=8)
        def _vec(q):
            sl = pl.ds((q % (H // 16)) * 16, 16)
            r = q // (H // 16)
            b_v[r, sl] += b_v[r + _CCH, sl]
        pltpu.sync_copy(b_v.at[pl.ds(0, _CCH)], out_hbm.at[pl.ds(base, _CCH)])


def _sc_combine(y_pad, pos0, pos1):
    mesh = plsc.VectorSubcoreMesh(core_axis_name="c", subcore_axis_name="s")
    return pl.kernel(
        _combine_body,
        out_type=jax.ShapeDtypeStruct((T, H), jnp.float32),
        mesh=mesh,
        scratch_types=[
            pltpu.VMEM((2 * _CCH,), jnp.int32),
            pltpu.VMEM((2 * _CCH, H), jnp.float32),
            pltpu.SemaphoreType.DMA,
        ],
    )(y_pad, pos0, pos1)


def _gmm_body(be_ref, x_ref, wg_ref, wu_ref, wd_ref, w_ref, o_ref):
    b = pl.program_id(0)

    @pl.when(b < be_ref[NB])
    def _():
        x = x_ref[...].astype(jnp.bfloat16)
        w = w_ref[0, 0][:, None]
        for i in range(NI):
            cols = pl.ds(i * BI, BI)
            wg = wg_ref[0, :, cols].astype(jnp.bfloat16)
            wu = wu_ref[0, :, cols].astype(jnp.bfloat16)
            wd = wd_ref[0, cols, :].astype(jnp.bfloat16)
            gate = jnp.dot(x, wg, preferred_element_type=jnp.float32)
            up = jnp.dot(x, wu, preferred_element_type=jnp.float32)
            h = (gate * jax.nn.sigmoid(gate)) * up * w
            part = jnp.dot(h.astype(jnp.bfloat16), wd,
                           preferred_element_type=jnp.float32)
            if i == 0:
                o_ref[...] = part
            else:
                o_ref[...] += part


def _grouped_mlp(be_arr, x_pad, Wg, Wu, Wd, w_pad3):
    grid_spec = pltpu.PrefetchScalarGridSpec(
        num_scalar_prefetch=1,
        grid=(NB,),
        in_specs=[
            pl.BlockSpec((BM, H), lambda b, be: (b, 0)),
            pl.BlockSpec((1, H, I), lambda b, be: (be[b], 0, 0)),
            pl.BlockSpec((1, H, I), lambda b, be: (be[b], 0, 0)),
            pl.BlockSpec((1, I, H), lambda b, be: (be[b], 0, 0)),
            pl.BlockSpec((1, 1, BM), lambda b, be: (b, 0, 0)),
        ],
        out_specs=pl.BlockSpec((BM, H), lambda b, be: (b, 0)),
    )
    return pl.pallas_call(
        _gmm_body,
        grid_spec=grid_spec,
        out_shape=jax.ShapeDtypeStruct((P, H), jnp.float32),
        compiler_params=pltpu.CompilerParams(
            dimension_semantics=("arbitrary",),
            vmem_limit_bytes=60 * 1024 * 1024),
    )(be_arr, x_pad, Wg, Wu, Wd, w_pad3)


def kernel(hidden_states, top_k_index, top_k_weights, Wg, Wu, Wd):
    be_arr, pos0, pos1 = _route_metadata(top_k_index)
    tw = top_k_weights.astype(jnp.float32)
    x_pad, w_pad = _sc_dispatch(hidden_states, pos0, pos1,
                                tw[:, 0], tw[:, 1])
    y_pad = _grouped_mlp(be_arr, x_pad, Wg, Wu, Wd,
                         w_pad.reshape(NB, 1, BM))
    return _sc_combine(y_pad, pos0, pos1)

# --- scband reference (transcript-rebuilt; emitter-appended) ---
"""Pipeline reference for scband-unfused-experts-81398220194554 (READ-ONLY COPY).

The authoritative reference and input builder live on the scoring server;
editing this copy changes nothing except your own understanding.
"""

import jax, jax.numpy as jnp
import numpy as np

T = 2048
K = 2
E = 8
H = 1024
I = 2048


def setup_inputs(seed: int = 0) -> dict:
    key = jax.random.key(seed)
    k1, k2, k3, k4, k5, k6 = jax.random.split(key, 6)
    hidden_states = jax.random.normal(k1, (T, H), dtype=jnp.float32)
    top_k_index = jax.random.randint(k2, (T, K), 0, E, dtype=jnp.int64 if jax.config.read('jax_enable_x64') else jnp.int32)
    top_k_weights = jax.random.uniform(k3, (T, K), dtype=jnp.float32)
    # Per-expert weights, stored as [E, in, out] so that y = x @ W[e]
    scale_g = 1.0 / np.sqrt(H)
    scale_d = 1.0 / np.sqrt(I)
    Wg = jax.random.uniform(k4, (E, H, I), dtype=jnp.float32, minval=-scale_g, maxval=scale_g)
    Wu = jax.random.uniform(k5, (E, H, I), dtype=jnp.float32, minval=-scale_g, maxval=scale_g)
    Wd = jax.random.uniform(k6, (E, I, H), dtype=jnp.float32, minval=-scale_d, maxval=scale_d)
    return {
        'hidden_states': hidden_states,
        'top_k_index': top_k_index,
        'top_k_weights': top_k_weights,
        'Wg': Wg,
        'Wu': Wu,
        'Wd': Wd,
    }


def reference(hidden_states, top_k_index, top_k_weights, Wg, Wu, Wd):
    # Faithful translation of _UnfusedExperts.forward.
    # For each expert e, tokens whose top_k_index row contains e are routed to
    # expert e and the expert output is scaled by the corresponding slot weight,
    # then scatter-added into the output. If a token selects the same expert in
    # two slots, both contributions are summed (matching index_add_ semantics).
    num_experts = Wg.shape[0]
    final_hidden_states = jnp.zeros_like(hidden_states)
    for e in range(num_experts):
        # dense mask over (token, slot); weight per token = sum of matched slot weights
        mask = (top_k_index == e).astype(hidden_states.dtype)  # [T, K]
        w = jnp.sum(top_k_weights * mask, axis=-1)             # [T]
        gate = jax.nn.silu(hidden_states @ Wg[e])
        up = hidden_states @ Wu[e]
        y = (gate * up) @ Wd[e]
        final_hidden_states = final_hidden_states + w[:, None] * y
    return final_hidden_states

if __name__ == "__main__":
    import jax
    _d = setup_inputs()
    print(jax.jit(kernel)(*tuple(_d.values())))

</pallas_src>

<mosaic_0001>
#map = affine_map<(d0, d1) -> (0, 0)>
#map1 = affine_map<(d0, d1) -> (0)>
module attributes {stable_mosaic.version = 14 : i64} {
  func.func @_dispatch_body(%arg0: i32, %arg1: i32, %arg2: memref<2048x1024xf32, #tpu.memory_space<hbm>>, %arg3: memref<2048xi32, #tpu.memory_space<hbm>>, %arg4: memref<2048xi32, #tpu.memory_space<hbm>>, %arg5: memref<2048xf32, #tpu.memory_space<hbm>>, %arg6: memref<2048xf32, #tpu.memory_space<hbm>>, %arg7: memref<6144x1024xf32, #tpu.memory_space<hbm>>, %arg8: memref<6144xf32, #tpu.memory_space<hbm>>, %arg9: memref<64x1024xf32, #tpu.memory_space<vmem>>, %arg10: memref<64xi32, #tpu.memory_space<vmem>>, %arg11: memref<64xi32, #tpu.memory_space<vmem>>, %arg12: memref<64xf32, #tpu.memory_space<vmem>>, %arg13: memref<64xf32, #tpu.memory_space<vmem>>, %arg14: memref<!tpu.dma_semaphore, #tpu.memory_space<semaphore_mem>>) attributes {dimension_semantics = [#tpu.dimension_semantics<core_parallel>, #tpu.dimension_semantics<subcore_parallel>], iteration_bounds = array<i64: 2, 16>, scalar_prefetch = 0 : i64, scratch_operands = 6 : i64, tpu.core_type = #tpu.core_type<sc_vector_subcore>, window_params = [{transform_indices = #map}, {transform_indices = #map1}, {transform_indices = #map1}, {transform_indices = #map1}, {transform_indices = #map1}, {transform_indices = #map}, {transform_indices = #map1}]} {
    %mul3A = arith.constant 2 : i32
    %mul3A_0 = arith.muli %arg1, %mul3A : i32
    %add3A = arith.addi %mul3A_0, %arg0 : i32
    %mul3A_1 = arith.constant 64 : i32
    %mul3A_2 = arith.muli %add3A, %mul3A_1 : i32
    "tpu.region"() ({
      %run_scoped3A = tpu.sem_alloc : memref<!tpu.dma_semaphore, #tpu.memory_space<semaphore_mem>>
      %dma_start3A_21 = arith.constant 0 : i32
      %dma_start3A_22 = tpu.memref_slice %arg2[%mul3A_2, %dma_start3A_21] : memref<2048x1024xf32, #tpu.memory_space<hbm>> -> memref<64x1024xf32, #tpu.memory_space<hbm>>
      %dma_start3A_23 = arith.constant 0 : i32
      %dma_start3A_24 = tpu.memref_slice %arg2[%mul3A_2, %dma_start3A_23] : memref<2048x1024xf32, #tpu.memory_space<hbm>> -> memref<64x1024xf32, #tpu.memory_space<hbm>>
      tpu.enqueue_dma source(%dma_start3A_24 : memref<64x1024xf32, #tpu.memory_space<hbm>>) target(%arg9 : memref<64x1024xf32, #tpu.memory_space<vmem>>) target_semaphore(%run_scoped3A : memref<!tpu.dma_semaphore, #tpu.memory_space<semaphore_mem>>)
      %dma_wait3A_25 = arith.constant 0 : i32
      %dma_wait3A_26 = tpu.memref_slice %arg2[%mul3A_2, %dma_wait3A_25] : memref<2048x1024xf32, #tpu.memory_space<hbm>> -> memref<64x1024xf32, #tpu.memory_space<hbm>>
      %dma_wait3A_27 = arith.constant 0 : i32
      %dma_wait3A_28 = tpu.memref_slice %arg2[%mul3A_2, %dma_wait3A_27] : memref<2048x1024xf32, #tpu.memory_space<hbm>> -> memref<64x1024xf32, #tpu.memory_space<hbm>>
      tpu.wait_dma2 semaphore(%run_scoped3A : memref<!tpu.dma_semaphore, #tpu.memory_space<semaphore_mem>>) src(%dma_wait3A_28 : memref<64x1024xf32, #tpu.memory_space<hbm>>) dst(%arg9 : memref<64x1024xf32, #tpu.memory_space<vmem>>)
      tpu.yield
    }) : () -> ()
    "tpu.region"() ({
      %run_scoped3A = tpu.sem_alloc : memref<!tpu.dma_semaphore, #tpu.memory_space<semaphore_mem>>
      %dma_start3A_21 = tpu.memref_slice %arg3[%mul3A_2] : memref<2048xi32, #tpu.memory_space<hbm>> -> memref<64xi32, #tpu.memory_space<hbm>>
      %dma_start3A_22 = tpu.memref_slice %arg3[%mul3A_2] : memref<2048xi32, #tpu.memory_space<hbm>> -> memref<64xi32, #tpu.memory_space<hbm>>
      tpu.enqueue_dma source(%dma_start3A_22 : memref<64xi32, #tpu.memory_space<hbm>>) target(%arg10 : memref<64xi32, #tpu.memory_space<vmem>>) target_semaphore(%run_scoped3A : memref<!tpu.dma_semaphore, #tpu.memory_space<semaphore_mem>>)
      %dma_wait3A_23 = tpu.memref_slice %arg3[%mul3A_2] : memref<2048xi32, #tpu.memory_space<hbm>> -> memref<64xi32, #tpu.memory_space<hbm>>
      %dma_wait3A_24 = tpu.memref_slice %arg3[%mul3A_2] : memref<2048xi32, #tpu.memory_space<hbm>> -> memref<64xi32, #tpu.memory_space<hbm>>
      tpu.wait_dma2 semaphore(%run_scoped3A : memref<!tpu.dma_semaphore, #tpu.memory_space<semaphore_mem>>) src(%dma_wait3A_24 : memref<64xi32, #tpu.memory_space<hbm>>) dst(%arg10 : memref<64xi32, #tpu.memory_space<vmem>>)
      tpu.yield
    }) : () -> ()
    "tpu.region"() ({
      %run_scoped3A = tpu.sem_alloc : memref<!tpu.dma_semaphore, #tpu.memory_space<semaphore_mem>>
      %dma_start3A_21 = tpu.memref_slice %arg4[%mul3A_2] : memref<2048xi32, #tpu.memory_space<hbm>> -> memref<64xi32, #tpu.memory_space<hbm>>
      %dma_start3A_22 = tpu.memref_slice %arg4[%mul3A_2] : memref<2048xi32, #tpu.memory_space<hbm>> -> memref<64xi32, #tpu.memory_space<hbm>>
      tpu.enqueue_dma source(%dma_start3A_22 : memref<64xi32, #tpu.memory_space<hbm>>) target(%arg11 : memref<64xi32, #tpu.memory_space<vmem>>) target_semaphore(%run_scoped3A : memref<!tpu.dma_semaphore, #tpu.memory_space<semaphore_mem>>)
      %dma_wait3A_23 = tpu.memref_slice %arg4[%mul3A_2] : memref<2048xi32, #tpu.memory_space<hbm>> -> memref<64xi32, #tpu.memory_space<hbm>>
      %dma_wait3A_24 = tpu.memref_slice %arg4[%mul3A_2] : memref<2048xi32, #tpu.memory_space<hbm>> -> memref<64xi32, #tpu.memory_space<hbm>>
      tpu.wait_dma2 semaphore(%run_scoped3A : memref<!tpu.dma_semaphore, #tpu.memory_space<semaphore_mem>>) src(%dma_wait3A_24 : memref<64xi32, #tpu.memory_space<hbm>>) dst(%arg11 : memref<64xi32, #tpu.memory_space<vmem>>)
      tpu.yield
    }) : () -> ()
    "tpu.region"() ({
      %run_scoped3A = tpu.sem_alloc : memref<!tpu.dma_semaphore, #tpu.memory_space<semaphore_mem>>
      %dma_start3A_21 = tpu.memref_slice %arg5[%mul3A_2] : memref<2048xf32, #tpu.memory_space<hbm>> -> memref<64xf32, #tpu.memory_space<hbm>>
      %dma_start3A_22 = tpu.memref_slice %arg5[%mul3A_2] : memref<2048xf32, #tpu.memory_space<hbm>> -> memref<64xf32, #tpu.memory_space<hbm>>
      tpu.enqueue_dma source(%dma_start3A_22 : memref<64xf32, #tpu.memory_space<hbm>>) target(%arg12 : memref<64xf32, #tpu.memory_space<vmem>>) target_semaphore(%run_scoped3A : memref<!tpu.dma_semaphore, #tpu.memory_space<semaphore_mem>>)
      %dma_wait3A_23 = tpu.memref_slice %arg5[%mul3A_2] : memref<2048xf32, #tpu.memory_space<hbm>> -> memref<64xf32, #tpu.memory_space<hbm>>
      %dma_wait3A_24 = tpu.memref_slice %arg5[%mul3A_2] : memref<2048xf32, #tpu.memory_space<hbm>> -> memref<64xf32, #tpu.memory_space<hbm>>
      tpu.wait_dma2 semaphore(%run_scoped3A : memref<!tpu.dma_semaphore, #tpu.memory_space<semaphore_mem>>) src(%dma_wait3A_24 : memref<64xf32, #tpu.memory_space<hbm>>) dst(%arg12 : memref<64xf32, #tpu.memory_space<vmem>>)
      tpu.yield
    }) : () -> ()
    "tpu.region"() ({
      %run_scoped3A = tpu.sem_alloc : memref<!tpu.dma_semaphore, #tpu.memory_space<semaphore_mem>>
      %dma_start3A_21 = tpu.memref_slice %arg6[%mul3A_2] : memref<2048xf32, #tpu.memory_space<hbm>> -> memref<64xf32, #tpu.memory_space<hbm>>
      %dma_start3A_22 = tpu.memref_slice %arg6[%mul3A_2] : memref<2048xf32, #tpu.memory_space<hbm>> -> memref<64xf32, #tpu.memory_space<hbm>>
      tpu.enqueue_dma source(%dma_start3A_22 : memref<64xf32, #tpu.memory_space<hbm>>) target(%arg13 : memref<64xf32, #tpu.memory_space<vmem>>) target_semaphore(%run_scoped3A : memref<!tpu.dma_semaphore, #tpu.memory_space<semaphore_mem>>)
      %dma_wait3A_23 = tpu.memref_slice %arg6[%mul3A_2] : memref<2048xf32, #tpu.memory_space<hbm>> -> memref<64xf32, #tpu.memory_space<hbm>>
      %dma_wait3A_24 = tpu.memref_slice %arg6[%mul3A_2] : memref<2048xf32, #tpu.memory_space<hbm>> -> memref<64xf32, #tpu.memory_space<hbm>>
      tpu.wait_dma2 semaphore(%run_scoped3A : memref<!tpu.dma_semaphore, #tpu.memory_space<semaphore_mem>>) src(%dma_wait3A_24 : memref<64xf32, #tpu.memory_space<hbm>>) dst(%arg13 : memref<64xf32, #tpu.memory_space<vmem>>)
      tpu.yield
    }) : () -> ()
    %dma_start3A = arith.constant 0 : i32
    %dma_start3A_3 = arith.constant 0 : i32
    %dma_start3A_4 = tpu.memref_slice %arg7[%dma_start3A, %dma_start3A_3] : memref<6144x1024xf32, #tpu.memory_space<hbm>> -> memref<6144x1024xf32, #tpu.memory_space<hbm>>
    tpu.enqueue_indirect_dma source(%arg9 : memref<64x1024xf32, #tpu.memory_space<vmem>>) target(%dma_start3A_4 : memref<6144x1024xf32, #tpu.memory_space<hbm>>) offsets(%arg10 : memref<64xi32, #tpu.memory_space<vmem>>) semaphore(%arg14 : memref<!tpu.dma_semaphore, #tpu.memory_space<semaphore_mem>>)
    %dma_start3A_5 = arith.constant 0 : i32
    %dma_start3A_6 = arith.constant 0 : i32
    %dma_start3A_7 = tpu.memref_slice %arg7[%dma_start3A_5, %dma_start3A_6] : memref<6144x1024xf32, #tpu.memory_space<hbm>> -> memref<6144x1024xf32, #tpu.memory_space<hbm>>
    tpu.enqueue_indirect_dma source(%arg9 : memref<64x1024xf32, #tpu.memory_space<vmem>>) target(%dma_start3A_7 : memref<6144x1024xf32, #tpu.memory_space<hbm>>) offsets(%arg11 : memref<64xi32, #tpu.memory_space<vmem>>) semaphore(%arg14 : memref<!tpu.dma_semaphore, #tpu.memory_space<semaphore_mem>>)
    %dma_start3A_8 = arith.constant 0 : i32
    %dma_start3A_9 = tpu.memref_slice %arg8[%dma_start3A_8] : memref<6144xf32, #tpu.memory_space<hbm>> -> memref<6144xf32, #tpu.memory_space<hbm>>
    tpu.enqueue_indirect_dma source(%arg12 : memref<64xf32, #tpu.memory_space<vmem>>) target(%dma_start3A_9 : memref<6144xf32, #tpu.memory_space<hbm>>) offsets(%arg10 : memref<64xi32, #tpu.memory_space<vmem>>) semaphore(%arg14 : memref<!tpu.dma_semaphore, #tpu.memory_space<semaphore_mem>>)
    %dma_start3A_10 = arith.constant 0 : i32
    %dma_start3A_11 = tpu.memref_slice %arg8[%dma_start3A_10] : memref<6144xf32, #tpu.memory_space<hbm>> -> memref<6144xf32, #tpu.memory_space<hbm>>
    tpu.enqueue_indirect_dma source(%arg13 : memref<64xf32, #tpu.memory_space<vmem>>) target(%dma_start3A_11 : memref<6144xf32, #tpu.memory_space<hbm>>) offsets(%arg11 : memref<64xi32, #tpu.memory_space<vmem>>) semaphore(%arg14 : memref<!tpu.dma_semaphore, #tpu.memory_space<semaphore_mem>>)
    %dma_wait3A = arith.constant 0 : i32
    %dma_wait3A_12 = arith.constant 0 : i32
    %dma_wait3A_13 = tpu.memref_slice %arg7[%dma_wait3A, %dma_wait3A_12] : memref<6144x1024xf32, #tpu.memory_space<hbm>> -> memref<6144x1024xf32, #tpu.memory_space<hbm>>
    tpu.wait_indirect_dma semaphore(%arg14 : memref<!tpu.dma_semaphore, #tpu.memory_space<semaphore_mem>>) src(%arg9 : memref<64x1024xf32, #tpu.memory_space<vmem>>) dst(%dma_wait3A_13 : memref<6144x1024xf32, #tpu.memory_space<hbm>>)
    %dma_wait3A_14 = arith.constant 0 : i32
    %dma_wait3A_15 = arith.constant 0 : i32
    %dma_wait3A_16 = tpu.memref_slice %arg7[%dma_wait3A_14, %dma_wait3A_15] : memref<6144x1024xf32, #tpu.memory_space<hbm>> -> memref<6144x1024xf32, #tpu.memory_space<hbm>>
    tpu.wait_indirect_dma semaphore(%arg14 : memref<!tpu.dma_semaphore, #tpu.memory_space<semaphore_mem>>) src(%arg9 : memref<64x1024xf32, #tpu.memory_space<vmem>>) dst(%dma_wait3A_16 : memref<6144x1024xf32, #tpu.memory_space<hbm>>)
    %dma_wait3A_17 = arith.constant 0 : i32
    %dma_wait3A_18 = tpu.memref_slice %arg8[%dma_wait3A_17] : memref<6144xf32, #tpu.memory_space<hbm>> -> memref<6144xf32, #tpu.memory_space<hbm>>
    tpu.wait_indirect_dma semaphore(%arg14 : memref<!tpu.dma_semaphore, #tpu.memory_space<semaphore_mem>>) src(%arg12 : memref<64xf32, #tpu.memory_space<vmem>>) dst(%dma_wait3A_18 : memref<6144xf32, #tpu.memory_space<hbm>>)
    %dma_wait3A_19 = arith.constant 0 : i32
    %dma_wait3A_20 = tpu.memref_slice %arg8[%dma_wait3A_19] : memref<6144xf32, #tpu.memory_space<hbm>> -> memref<6144xf32, #tpu.memory_space<hbm>>
    tpu.wait_indirect_dma semaphore(%arg14 : memref<!tpu.dma_semaphore, #tpu.memory_space<semaphore_mem>>) src(%arg13 : memref<64xf32, #tpu.memory_space<vmem>>) dst(%dma_wait3A_20 : memref<6144xf32, #tpu.memory_space<hbm>>)
    return
  }
}

#map = affine_map<(d0, d1) -> (0, 0)>
#map1 = affine_map<(d0, d1) -> (0)>
module attributes {stable_mosaic.version = 14 : i64} {
  func.func @_combine_body(%arg0: i32, %arg1: i32, %arg2: memref<6144x1024xf32, #tpu.memory_space<hbm>>, %arg3: memref<2048xi32, #tpu.memory_space<hbm>>, %arg4: memref<2048xi32, #tpu.memory_space<hbm>>, %arg5: memref<2048x1024xf32, #tpu.memory_space<hbm>>, %arg6: memref<64xi32, #tpu.memory_space<vmem>>, %arg7: memref<64x1024xf32, #tpu.memory_space<vmem>>, %arg8: memref<!tpu.dma_semaphore, #tpu.memory_space<semaphore_mem>>) attributes {dimension_semantics = [#tpu.dimension_semantics<core_parallel>, #tpu.dimension_semantics<subcore_parallel>], iteration_bounds = array<i64: 2, 16>, scalar_prefetch = 0 : i64, scratch_operands = 3 : i64, tpu.core_type = #tpu.core_type<sc_vector_subcore>, window_params = [{transform_indices = #map}, {transform_indices = #map1}, {transform_indices = #map1}, {transform_indices = #map}]} {
    %mul3A = arith.constant 2 : i32
    %mul3A_0 = arith.muli %arg1, %mul3A : i32
    %add3A = arith.addi %mul3A_0, %arg0 : i32
    %mul3A_1 = arith.constant 64 : i32
    %mul3A_2 = arith.muli %add3A, %mul3A_1 : i32
    %add3A_3 = arith.constant 0 : i32
    %add3A_4 = arith.addi %mul3A_2, %add3A_3 : i32
    "tpu.region"() ({
      %run_scoped3A = tpu.sem_alloc : memref<!tpu.dma_semaphore, #tpu.memory_space<semaphore_mem>>
      %dma_start3A_24 = arith.constant 0 : i32
      %dma_start3A_25 = tpu.memref_slice %arg6[%dma_start3A_24] : memref<64xi32, #tpu.memory_space<vmem>> -> memref<32xi32, #tpu.memory_space<vmem>>
      %dma_start3A_26 = tpu.memref_slice %arg3[%add3A_4] : memref<2048xi32, #tpu.memory_space<hbm>> -> memref<32xi32, #tpu.memory_space<hbm>>
      %dma_start3A_27 = arith.constant 0 : i32
      %dma_start3A_28 = tpu.memref_slice %arg6[%dma_start3A_27] : memref<64xi32, #tpu.memory_space<vmem>> -> memref<32xi32, #tpu.memory_space<vmem>>
      %dma_start3A_29 = tpu.memref_slice %arg3[%add3A_4] : memref<2048xi32, #tpu.memory_space<hbm>> -> memref<32xi32, #tpu.memory_space<hbm>>
      tpu.enqueue_dma source(%dma_start3A_29 : memref<32xi32, #tpu.memory_space<hbm>>) target(%dma_start3A_28 : memref<32xi32, #tpu.memory_space<vmem>>) target_semaphore(%run_scoped3A : memref<!tpu.dma_semaphore, #tpu.memory_space<semaphore_mem>>)
      %dma_wait3A_30 = arith.constant 0 : i32
      %dma_wait3A_31 = tpu.memref_slice %arg6[%dma_wait3A_30] : memref<64xi32, #tpu.memory_space<vmem>> -> memref<32xi32, #tpu.memory_space<vmem>>
      %dma_wait3A_32 = tpu.memref_slice %arg3[%add3A_4] : memref<2048xi32, #tpu.memory_space<hbm>> -> memref<32xi32, #tpu.memory_space<hbm>>
      %dma_wait3A_33 = arith.constant 0 : i32
      %dma_wait3A_34 = tpu.memref_slice %arg6[%dma_wait3A_33] : memref<64xi32, #tpu.memory_space<vmem>> -> memref<32xi32, #tpu.memory_space<vmem>>
      %dma_wait3A_35 = tpu.memref_slice %arg3[%add3A_4] : memref<2048xi32, #tpu.memory_space<hbm>> -> memref<32xi32, #tpu.memory_space<hbm>>
      tpu.wait_dma2 semaphore(%run_scoped3A : memref<!tpu.dma_semaphore, #tpu.memory_space<semaphore_mem>>) src(%dma_wait3A_35 : memref<32xi32, #tpu.memory_space<hbm>>) dst(%dma_wait3A_34 : memref<32xi32, #tpu.memory_space<vmem>>)
      tpu.yield
    }) : () -> ()
    "tpu.region"() ({
      %run_scoped3A = tpu.sem_alloc : memref<!tpu.dma_semaphore, #tpu.memory_space<semaphore_mem>>
      %dma_start3A_24 = arith.constant 32 : i32
      %dma_start3A_25 = tpu.memref_slice %arg6[%dma_start3A_24] : memref<64xi32, #tpu.memory_space<vmem>> -> memref<32xi32, #tpu.memory_space<vmem>>
      %dma_start3A_26 = tpu.memref_slice %arg4[%add3A_4] : memref<2048xi32, #tpu.memory_space<hbm>> -> memref<32xi32, #tpu.memory_space<hbm>>
      %dma_start3A_27 = arith.constant 32 : i32
      %dma_start3A_28 = tpu.memref_slice %arg6[%dma_start3A_27] : memref<64xi32, #tpu.memory_space<vmem>> -> memref<32xi32, #tpu.memory_space<vmem>>
      %dma_start3A_29 = tpu.memref_slice %arg4[%add3A_4] : memref<2048xi32, #tpu.memory_space<hbm>> -> memref<32xi32, #tpu.memory_space<hbm>>
      tpu.enqueue_dma source(%dma_start3A_29 : memref<32xi32, #tpu.memory_space<hbm>>) target(%dma_start3A_28 : memref<32xi32, #tpu.memory_space<vmem>>) target_semaphore(%run_scoped3A : memref<!tpu.dma_semaphore, #tpu.memory_space<semaphore_mem>>)
      %dma_wait3A_30 = arith.constant 32 : i32
      %dma_wait3A_31 = tpu.memref_slice %arg6[%dma_wait3A_30] : memref<64xi32, #tpu.memory_space<vmem>> -> memref<32xi32, #tpu.memory_space<vmem>>
      %dma_wait3A_32 = tpu.memref_slice %arg4[%add3A_4] : memref<2048xi32, #tpu.memory_space<hbm>> -> memref<32xi32, #tpu.memory_space<hbm>>
      %dma_wait3A_33 = arith.constant 32 : i32
      %dma_wait3A_34 = tpu.memref_slice %arg6[%dma_wait3A_33] : memref<64xi32, #tpu.memory_space<vmem>> -> memref<32xi32, #tpu.memory_space<vmem>>
      %dma_wait3A_35 = tpu.memref_slice %arg4[%add3A_4] : memref<2048xi32, #tpu.memory_space<hbm>> -> memref<32xi32, #tpu.memory_space<hbm>>
      tpu.wait_dma2 semaphore(%run_scoped3A : memref<!tpu.dma_semaphore, #tpu.memory_space<semaphore_mem>>) src(%dma_wait3A_35 : memref<32xi32, #tpu.memory_space<hbm>>) dst(%dma_wait3A_34 : memref<32xi32, #tpu.memory_space<vmem>>)
      tpu.yield
    }) : () -> ()
    %dma_start3A = arith.constant 0 : i32
    %dma_start3A_5 = arith.constant 0 : i32
    %dma_start3A_6 = tpu.memref_slice %arg2[%dma_start3A, %dma_start3A_5] : memref<6144x1024xf32, #tpu.memory_space<hbm>> -> memref<6144x1024xf32, #tpu.memory_space<hbm>>
    tpu.enqueue_indirect_dma source(%dma_start3A_6 : memref<6144x1024xf32, #tpu.memory_space<hbm>>) target(%arg7 : memref<64x1024xf32, #tpu.memory_space<vmem>>) offsets(%arg6 : memref<64xi32, #tpu.memory_space<vmem>>) semaphore(%arg8 : memref<!tpu.dma_semaphore, #tpu.memory_space<semaphore_mem>>)
    %dma_wait3A = arith.constant 0 : i32
    %dma_wait3A_7 = arith.constant 0 : i32
    %dma_wait3A_8 = tpu.memref_slice %arg2[%dma_wait3A, %dma_wait3A_7] : memref<6144x1024xf32, #tpu.memory_space<hbm>> -> memref<6144x1024xf32, #tpu.memory_space<hbm>>
    tpu.wait_indirect_dma semaphore(%arg8 : memref<!tpu.dma_semaphore, #tpu.memory_space<semaphore_mem>>) src(%dma_wait3A_8 : memref<6144x1024xf32, #tpu.memory_space<hbm>>) dst(%arg7 : memref<64x1024xf32, #tpu.memory_space<vmem>>)
    %parallel_loop3A = arith.constant 0 : i32
    %parallel_loop3A_9 = arith.constant 2048 : i32
    %parallel_loop3A_10 = arith.constant 1 : i32
    scf.for %parallel_loop3A_24 = %parallel_loop3A to %parallel_loop3A_9 step %parallel_loop3A_10  : i32 {
      %parallel_loop3A_25 = arith.constant 64 : i32
      %parallel_loop3A_26 = arith.constant 0 : i32
      %parallel_loop3A_27 = arith.cmpi eq, %parallel_loop3A_25, %parallel_loop3A_26 : i32
      %parallel_loop3A_28 = arith.constant 1 : i32
      %parallel_loop3A_29 = arith.select %parallel_loop3A_27, %parallel_loop3A_28, %parallel_loop3A_25 : i32
      %parallel_loop3A_30 = arith.remsi %parallel_loop3A_24, %parallel_loop3A_29 : i32
      %parallel_loop3A_31 = arith.constant 0 : i32
      %parallel_loop3A_32 = arith.cmpi ne, %parallel_loop3A_30, %parallel_loop3A_31 : i32
      %parallel_loop3A_33 = arith.constant 0 : i32
      %parallel_loop3A_34 = arith.cmpi slt, %parallel_loop3A_30, %parallel_loop3A_33 : i32
      %parallel_loop3A_35 = arith.constant 0 : i32
      %parallel_loop3A_36 = arith.cmpi slt, %parallel_loop3A_29, %parallel_loop3A_35 : i32
      %parallel_loop3A_37 = arith.xori %parallel_loop3A_34, %parallel_loop3A_36 : i1
      %parallel_loop3A_38 = arith.andi %parallel_loop3A_37, %parallel_loop3A_32 : i1
      %parallel_loop3A_39 = arith.addi %parallel_loop3A_30, %parallel_loop3A_29 : i32
      %parallel_loop3A_40 = arith.select %parallel_loop3A_38, %parallel_loop3A_39, %parallel_loop3A_30 : i32
      %parallel_loop3A_41 = arith.constant 16 : i32
      %parallel_loop3A_42 = arith.muli %parallel_loop3A_40, %parallel_loop3A_41 : i32
      %parallel_loop3A_43 = arith.constant 64 : i32
      %parallel_loop3A_44 = arith.divsi %parallel_loop3A_24, %parallel_loop3A_43 : i32
      %parallel_loop3A_45 = arith.constant 0 : i32
      %parallel_loop3A_46 = arith.cmpi sgt, %parallel_loop3A_24, %parallel_loop3A_45 : i32
      %parallel_loop3A_47 = arith.extui %parallel_loop3A_46 : i1 to i32
      %parallel_loop3A_48 = arith.constant 0 : i32
      %parallel_loop3A_49 = arith.cmpi slt, %parallel_loop3A_24, %parallel_loop3A_48 : i32
      %parallel_loop3A_50 = arith.extui %parallel_loop3A_49 : i1 to i32
      %parallel_loop3A_51 = arith.subi %parallel_loop3A_47, %parallel_loop3A_50 : i32
      %parallel_loop3A_52 = arith.constant 0 : i32
      %parallel_loop3A_53 = arith.cmpi sgt, %parallel_loop3A_43, %parallel_loop3A_52 : i32
      %parallel_loop3A_54 = arith.extui %parallel_loop3A_53 : i1 to i32
      %parallel_loop3A_55 = arith.constant 0 : i32
      %parallel_loop3A_56 = arith.cmpi slt, %parallel_loop3A_43, %parallel_loop3A_55 : i32
      %parallel_loop3A_57 = arith.extui %parallel_loop3A_56 : i1 to i32
      %parallel_loop3A_58 = arith.subi %parallel_loop3A_54, %parallel_loop3A_57 : i32
      %parallel_loop3A_59 = arith.cmpi ne, %parallel_loop3A_51, %parallel_loop3A_58 : i32
      %parallel_loop3A_60 = arith.remsi %parallel_loop3A_24, %parallel_loop3A_43 : i32
      %parallel_loop3A_61 = arith.constant 0 : i32
      %parallel_loop3A_62 = arith.cmpi ne, %parallel_loop3A_60, %parallel_loop3A_61 : i32
      %parallel_loop3A_63 = arith.andi %parallel_loop3A_59, %parallel_loop3A_62 : i1
      %parallel_loop3A_64 = arith.constant 1 : i32
      %parallel_loop3A_65 = arith.subi %parallel_loop3A_44, %parallel_loop3A_64 : i32
      %parallel_loop3A_66 = arith.select %parallel_loop3A_63, %parallel_loop3A_65, %parallel_loop3A_44 : i32
      %parallel_loop3A_67 = arith.index_cast %parallel_loop3A_66 : i32 to index
      %parallel_loop3A_68 = arith.index_cast %parallel_loop3A_42 : i32 to index
      %parallel_loop3A_69 = tpu.vector_load %arg7[%parallel_loop3A_67, %parallel_loop3A_68] {strides = array<i32>} : memref<64x1024xf32, #tpu.memory_space<vmem>>, vector<1x16xf32>,
      %parallel_loop3A_70 = vector.shape_cast %parallel_loop3A_69 : vector<1x16xf32> to vector<16xf32>
      %parallel_loop3A_71 = arith.constant 32 : i32
      %parallel_loop3A_72 = arith.addi %parallel_loop3A_66, %parallel_loop3A_71 : i32
      %parallel_loop3A_73 = arith.index_cast %parallel_loop3A_72 : i32 to index
      %parallel_loop3A_74 = arith.index_cast %parallel_loop3A_42 : i32 to index
      %parallel_loop3A_75 = tpu.vector_load %arg7[%parallel_loop3A_73, %parallel_loop3A_74] {strides = array<i32>} : memref<64x1024xf32, #tpu.memory_space<vmem>>, vector<1x16xf32>,
      %parallel_loop3A_76 = vector.shape_cast %parallel_loop3A_75 : vector<1x16xf32> to vector<16xf32>
      %parallel_loop3A_77 = arith.addf %parallel_loop3A_70, %parallel_loop3A_76 : vector<16xf32>
      %parallel_loop3A_78 = arith.index_cast %parallel_loop3A_66 : i32 to index
      %parallel_loop3A_79 = arith.index_cast %parallel_loop3A_42 : i32 to index
      %parallel_loop3A_80 = tpu.vector_load %arg7[%parallel_loop3A_78, %parallel_loop3A_79] {strides = array<i32>} : memref<64x1024xf32, #tpu.memory_space<vmem>>, vector<1x16xf32>,
      %parallel_loop3A_81 = vector.shape_cast %parallel_loop3A_80 : vector<1x16xf32> to vector<16xf32>
      %parallel_loop3A_82 = vector.shape_cast %parallel_loop3A_77 : vector<16xf32> to vector<1x16xf32>
      tpu.vector_store %arg7[%parallel_loop3A_78, %parallel_loop3A_79], %parallel_loop3A_82 {strides = array<i32>} : memref<64x1024xf32, #tpu.memory_space<vmem>>, vector<1x16xf32>,
    } {sc.loop_unroll_factor = 8 : i64, sc.parallel_access}
    "tpu.region"() ({
      %run_scoped3A = tpu.sem_alloc : memref<!tpu.dma_semaphore, #tpu.memory_space<semaphore_mem>>
      %dma_start3A_24 = arith.constant 0 : i32
      %dma_start3A_25 = arith.constant 0 : i32
      %dma_start3A_26 = tpu.memref_slice %arg7[%dma_start3A_24, %dma_start3A_25] : memref<64x1024xf32, #tpu.memory_space<vmem>> -> memref<32x1024xf32, #tpu.memory_space<vmem>>
      %dma_start3A_27 = arith.constant 0 : i32
      %dma_start3A_28 = tpu.memref_slice %arg5[%add3A_4, %dma_start3A_27] : memref<2048x1024xf32, #tpu.memory_space<hbm>> -> memref<32x1024xf32, #tpu.memory_space<hbm>>
      %dma_start3A_29 = arith.constant 0 : i32
      %dma_start3A_30 = tpu.memref_slice %arg5[%add3A_4, %dma_start3A_29] : memref<2048x1024xf32, #tpu.memory_space<hbm>> -> memref<32x1024xf32, #tpu.memory_space<hbm>>
      %dma_start3A_31 = arith.constant 0 : i32
      %dma_start3A_32 = arith.constant 0 : i32
      %dma_start3A_33 = tpu.memref_slice %arg7[%dma_start3A_31, %dma_start3A_32] : memref<64x1024xf32, #tpu.memory_space<vmem>> -> memref<32x1024xf32, #tpu.memory_space<vmem>>
      tpu.enqueue_dma source(%dma_start3A_33 : memref<32x1024xf32, #tpu.memory_space<vmem>>) target(%dma_start3A_30 : memref<32x1024xf32, #tpu.memory_space<hbm>>) target_semaphore(%run_scoped3A : memref<!tpu.dma_semaphore, #tpu.memory_space<semaphore_mem>>)
      %dma_wait3A_34 = arith.constant 0 : i32
      %dma_wait3A_35 = arith.constant 0 : i32
      %dma_wait3A_36 = tpu.memref_slice %arg7[%dma_wait3A_34, %dma_wait3A_35] : memref<64x1024xf32, #tpu.memory_space<vmem>> -> memref<32x1024xf32, #tpu.memory_space<vmem>>
      %dma_wait3A_37 = arith.constant 0 : i32
      %dma_wait3A_38 = tpu.memref_slice %arg5[%add3A_4, %dma_wait3A_37] : memref<2048x1024xf32, #tpu.memory_space<hbm>> -> memref<32x1024xf32, #tpu.memory_space<hbm>>
      %dma_wait3A_39 = arith.constant 0 : i32
      %dma_wait3A_40 = tpu.memref_slice %arg5[%add3A_4, %dma_wait3A_39] : memref<2048x1024xf32, #tpu.memory_space<hbm>> -> memref<32x1024xf32, #tpu.memory_space<hbm>>
      %dma_wait3A_41 = arith.constant 0 : i32
      %dma_wait3A_42 = arith.constant 0 : i32
      %dma_wait3A_43 = tpu.memref_slice %arg7[%dma_wait3A_41, %dma_wait3A_42] : memref<64x1024xf32, #tpu.memory_space<vmem>> -> memref<32x1024xf32, #tpu.memory_space<vmem>>
      tpu.wait_dma2 semaphore(%run_scoped3A : memref<!tpu.dma_semaphore, #tpu.memory_space<semaphore_mem>>) src(%dma_wait3A_43 : memref<32x1024xf32, #tpu.memory_space<vmem>>) dst(%dma_wait3A_40 : memref<32x1024xf32, #tpu.memory_space<hbm>>)
      tpu.yield
    }) : () -> ()
    %mul3A_11 = arith.constant 64 : i32
    %mul3A_12 = arith.muli %add3A, %mul3A_11 : i32
    %add3A_13 = arith.constant 32 : i32
    %add3A_14 = arith.addi %mul3A_12, %add3A_13 : i32
    "tpu.region"() ({
      %run_scoped3A = tpu.sem_alloc : memref<!tpu.dma_semaphore, #tpu.memory_space<semaphore_mem>>
      %dma_start3A_24 = arith.constant 0 : i32
      %dma_start3A_25 = tpu.memref_slice %arg6[%dma_start3A_24] : memref<64xi32, #tpu.memory_space<vmem>> -> memref<32xi32, #tpu.memory_space<vmem>>
      %dma_start3A_26 = tpu.memref_slice %arg3[%add3A_14] : memref<2048xi32, #tpu.memory_space<hbm>> -> memref<32xi32, #tpu.memory_space<hbm>>
      %dma_start3A_27 = arith.constant 0 : i32
      %dma_start3A_28 = tpu.memref_slice %arg6[%dma_start3A_27] : memref<64xi32, #tpu.memory_space<vmem>> -> memref<32xi32, #tpu.memory_space<vmem>>
      %dma_start3A_29 = tpu.memref_slice %arg3[%add3A_14] : memref<2048xi32, #tpu.memory_space<hbm>> -> memref<32xi32, #tpu.memory_space<hbm>>
      tpu.enqueue_dma source(%dma_start3A_29 : memref<32xi32, #tpu.memory_space<hbm>>) target(%dma_start3A_28 : memref<32xi32, #tpu.memory_space<vmem>>) target_semaphore(%run_scoped3A : memref<!tpu.dma_semaphore, #tpu.memory_space<semaphore_mem>>)
      %dma_wait3A_30 = arith.constant 0 : i32
      %dma_wait3A_31 = tpu.memref_slice %arg6[%dma_wait3A_30] : memref<64xi32, #tpu.memory_space<vmem>> -> memref<32xi32, #tpu.memory_space<vmem>>
      %dma_wait3A_32 = tpu.memref_slice %arg3[%add3A_14] : memref<2048xi32, #tpu.memory_space<hbm>> -> memref<32xi32, #tpu.memory_space<hbm>>
      %dma_wait3A_33 = arith.constant 0 : i32
      %dma_wait3A_34 = tpu.memref_slice %arg6[%dma_wait3A_33] : memref<64xi32, #tpu.memory_space<vmem>> -> memref<32xi32, #tpu.memory_space<vmem>>
      %dma_wait3A_35 = tpu.memref_slice %arg3[%add3A_14] : memref<2048xi32, #tpu.memory_space<hbm>> -> memref<32xi32, #tpu.memory_space<hbm>>
      tpu.wait_dma2 semaphore(%run_scoped3A : memref<!tpu.dma_semaphore, #tpu.memory_space<semaphore_mem>>) src(%dma_wait3A_35 : memref<32xi32, #tpu.memory_space<hbm>>) dst(%dma_wait3A_34 : memref<32xi32, #tpu.memory_space<vmem>>)
      tpu.yield
    }) : () -> ()
    "tpu.region"() ({
      %run_scoped3A = tpu.sem_alloc : memref<!tpu.dma_semaphore, #tpu.memory_space<semaphore_mem>>
      %dma_start3A_24 = arith.constant 32 : i32
      %dma_start3A_25 = tpu.memref_slice %arg6[%dma_start3A_24] : memref<64xi32, #tpu.memory_space<vmem>> -> memref<32xi32, #tpu.memory_space<vmem>>
      %dma_start3A_26 = tpu.memref_slice %arg4[%add3A_14] : memref<2048xi32, #tpu.memory_space<hbm>> -> memref<32xi32, #tpu.memory_space<hbm>>
      %dma_start3A_27 = arith.constant 32 : i32
      %dma_start3A_28 = tpu.memref_slice %arg6[%dma_start3A_27] : memref<64xi32, #tpu.memory_space<vmem>> -> memref<32xi32, #tpu.memory_space<vmem>>
      %dma_start3A_29 = tpu.memref_slice %arg4[%add3A_14] : memref<2048xi32, #tpu.memory_space<hbm>> -> memref<32xi32, #tpu.memory_space<hbm>>
      tpu.enqueue_dma source(%dma_start3A_29 : memref<32xi32, #tpu.memory_space<hbm>>) target(%dma_start3A_28 : memref<32xi32, #tpu.memory_space<vmem>>) target_semaphore(%run_scoped3A : memref<!tpu.dma_semaphore, #tpu.memory_space<semaphore_mem>>)
      %dma_wait3A_30 = arith.constant 32 : i32
      %dma_wait3A_31 = tpu.memref_slice %arg6[%dma_wait3A_30] : memref<64xi32, #tpu.memory_space<vmem>> -> memref<32xi32, #tpu.memory_space<vmem>>
      %dma_wait3A_32 = tpu.memref_slice %arg4[%add3A_14] : memref<2048xi32, #tpu.memory_space<hbm>> -> memref<32xi32, #tpu.memory_space<hbm>>
      %dma_wait3A_33 = arith.constant 32 : i32
      %dma_wait3A_34 = tpu.memref_slice %arg6[%dma_wait3A_33] : memref<64xi32, #tpu.memory_space<vmem>> -> memref<32xi32, #tpu.memory_space<vmem>>
      %dma_wait3A_35 = tpu.memref_slice %arg4[%add3A_14] : memref<2048xi32, #tpu.memory_space<hbm>> -> memref<32xi32, #tpu.memory_space<hbm>>
      tpu.wait_dma2 semaphore(%run_scoped3A : memref<!tpu.dma_semaphore, #tpu.memory_space<semaphore_mem>>) src(%dma_wait3A_35 : memref<32xi32, #tpu.memory_space<hbm>>) dst(%dma_wait3A_34 : memref<32xi32, #tpu.memory_space<vmem>>)
      tpu.yield
    }) : () -> ()
    %dma_start3A_15 = arith.constant 0 : i32
    %dma_start3A_16 = arith.constant 0 : i32
    %dma_start3A_17 = tpu.memref_slice %arg2[%dma_start3A_15, %dma_start3A_16] : memref<6144x1024xf32, #tpu.memory_space<hbm>> -> memref<6144x1024xf32, #tpu.memory_space<hbm>>
    tpu.enqueue_indirect_dma source(%dma_start3A_17 : memref<6144x1024xf32, #tpu.memory_space<hbm>>) target(%arg7 : memref<64x1024xf32, #tpu.memory_space<vmem>>) offsets(%arg6 : memref<64xi32, #tpu.memory_space<vmem>>) semaphore(%arg8 : memref<!tpu.dma_semaphore, #tpu.memory_space<semaphore_mem>>)
    %dma_wait3A_18 = arith.constant 0 : i32
    %dma_wait3A_19 = arith.constant 0 : i32
    %dma_wait3A_20 = tpu.memref_slice %arg2[%dma_wait3A_18, %dma_wait3A_19] : memref<6144x1024xf32, #tpu.memory_space<hbm>> -> memref<6144x1024xf32, #tpu.memory_space<hbm>>
    tpu.wait_indirect_dma semaphore(%arg8 : memref<!tpu.dma_semaphore, #tpu.memory_space<semaphore_mem>>) src(%dma_wait3A_20 : memref<6144x1024xf32, #tpu.memory_space<hbm>>) dst(%arg7 : memref<64x1024xf32, #tpu.memory_space<vmem>>)
    %parallel_loop3A_21 = arith.constant 0 : i32
    %parallel_loop3A_22 = arith.constant 2048 : i32
    %parallel_loop3A_23 = arith.constant 1 : i32
    scf.for %parallel_loop3A_24 = %parallel_loop3A_21 to %parallel_loop3A_22 step %parallel_loop3A_23  : i32 {
      %parallel_loop3A_25 = arith.constant 64 : i32
      %parallel_loop3A_26 = arith.constant 0 : i32
      %parallel_loop3A_27 = arith.cmpi eq, %parallel_loop3A_25, %parallel_loop3A_26 : i32
      %parallel_loop3A_28 = arith.constant 1 : i32
      %parallel_loop3A_29 = arith.select %parallel_loop3A_27, %parallel_loop3A_28, %parallel_loop3A_25 : i32
      %parallel_loop3A_30 = arith.remsi %parallel_loop3A_24, %parallel_loop3A_29 : i32
      %parallel_loop3A_31 = arith.constant 0 : i32
      %parallel_loop3A_32 = arith.cmpi ne, %parallel_loop3A_30, %parallel_loop3A_31 : i32
      %parallel_loop3A_33 = arith.constant 0 : i32
      %parallel_loop3A_34 = arith.cmpi slt, %parallel_loop3A_30, %parallel_loop3A_33 : i32
      %parallel_loop3A_35 = arith.constant 0 : i32
      %parallel_loop3A_36 = arith.cmpi slt, %parallel_loop3A_29, %parallel_loop3A_35 : i32
      %parallel_loop3A_37 = arith.xori %parallel_loop3A_34, %parallel_loop3A_36 : i1
      %parallel_loop3A_38 = arith.andi %parallel_loop3A_37, %parallel_loop3A_32 : i1
      %parallel_loop3A_39 = arith.addi %parallel_loop3A_30, %parallel_loop3A_29 : i32
      %parallel_loop3A_40 = arith.select %parallel_loop3A_38, %parallel_loop3A_39, %parallel_loop3A_30 : i32
      %parallel_loop3A_41 = arith.constant 16 : i32
      %parallel_loop3A_42 = arith.muli %parallel_loop3A_40, %parallel_loop3A_41 : i32
      %parallel_loop3A_43 = arith.constant 64 : i32
      %parallel_loop3A_44 = arith.divsi %parallel_loop3A_24, %parallel_loop3A_43 : i32
      %parallel_loop3A_45 = arith.constant 0 : i32
      %parallel_loop3A_46 = arith.cmpi sgt, %parallel_loop3A_24, %parallel_loop3A_45 : i32
      %parallel_loop3A_47 = arith.extui %parallel_loop3A_46 : i1 to i32
      %parallel_loop3A_48 = arith.constant 0 : i32
      %parallel_loop3A_49 = arith.cmpi slt, %parallel_loop3A_24, %parallel_loop3A_48 : i32
      %parallel_loop3A_50 = arith.extui %parallel_loop3A_49 : i1 to i32
      %parallel_loop3A_51 = arith.subi %parallel_loop3A_47, %parallel_loop3A_50 : i32
      %parallel_loop3A_52 = arith.constant 0 : i32
      %parallel_loop3A_53 = arith.cmpi sgt, %parallel_loop3A_43, %parallel_loop3A_52 : i32
      %parallel_loop3A_54 = arith.extui %parallel_loop3A_53 : i1 to i32
      %parallel_loop3A_55 = arith.constant 0 : i32
      %parallel_loop3A_56 = arith.cmpi slt, %parallel_loop3A_43, %parallel_loop3A_55 : i32
      %parallel_loop3A_57 = arith.extui %parallel_loop3A_56 : i1 to i32
      %parallel_loop3A_58 = arith.subi %parallel_loop3A_54, %parallel_loop3A_57 : i32
      %parallel_loop3A_59 = arith.cmpi ne, %parallel_loop3A_51, %parallel_loop3A_58 : i32
      %parallel_loop3A_60 = arith.remsi %parallel_loop3A_24, %parallel_loop3A_43 : i32
      %parallel_loop3A_61 = arith.constant 0 : i32
      %parallel_loop3A_62 = arith.cmpi ne, %parallel_loop3A_60, %parallel_loop3A_61 : i32
      %parallel_loop3A_63 = arith.andi %parallel_loop3A_59, %parallel_loop3A_62 : i1
      %parallel_loop3A_64 = arith.constant 1 : i32
      %parallel_loop3A_65 = arith.subi %parallel_loop3A_44, %parallel_loop3A_64 : i32
      %parallel_loop3A_66 = arith.select %parallel_loop3A_63, %parallel_loop3A_65, %parallel_loop3A_44 : i32
      %parallel_loop3A_67 = arith.index_cast %parallel_loop3A_66 : i32 to index
      %parallel_loop3A_68 = arith.index_cast %parallel_loop3A_42 : i32 to index
      %parallel_loop3A_69 = tpu.vector_load %arg7[%parallel_loop3A_67, %parallel_loop3A_68] {strides = array<i32>} : memref<64x1024xf32, #tpu.memory_space<vmem>>, vector<1x16xf32>,
      %parallel_loop3A_70 = vector.shape_cast %parallel_loop3A_69 : vector<1x16xf32> to vector<16xf32>
      %parallel_loop3A_71 = arith.constant 32 : i32
      %parallel_loop3A_72 = arith.addi %parallel_loop3A_66, %parallel_loop3A_71 : i32
      %parallel_loop3A_73 = arith.index_cast %parallel_loop3A_72 : i32 to index
      %parallel_loop3A_74 = arith.index_cast %parallel_loop3A_42 : i32 to index
      %parallel_loop3A_75 = tpu.vector_load %arg7[%parallel_loop3A_73, %parallel_loop3A_74] {strides = array<i32>} : memref<64x1024xf32, #tpu.memory_space<vmem>>, vector<1x16xf32>,
      %parallel_loop3A_76 = vector.shape_cast %parallel_loop3A_75 : vector<1x16xf32> to vector<16xf32>
      %parallel_loop3A_77 = arith.addf %parallel_loop3A_70, %parallel_loop3A_76 : vector<16xf32>
      %parallel_loop3A_78 = arith.index_cast %parallel_loop3A_66 : i32 to index
      %parallel_loop3A_79 = arith.index_cast %parallel_loop3A_42 : i32 to index
      %parallel_loop3A_80 = tpu.vector_load %arg7[%parallel_loop3A_78, %parallel_loop3A_79] {strides = array<i32>} : memref<64x1024xf32, #tpu.memory_space<vmem>>, vector<1x16xf32>,
      %parallel_loop3A_81 = vector.shape_cast %parallel_loop3A_80 : vector<1x16xf32> to vector<16xf32>
      %parallel_loop3A_82 = vector.shape_cast %parallel_loop3A_77 : vector<16xf32> to vector<1x16xf32>
      tpu.vector_store %arg7[%parallel_loop3A_78, %parallel_loop3A_79], %parallel_loop3A_82 {strides = array<i32>} : memref<64x1024xf32, #tpu.memory_space<vmem>>, vector<1x16xf32>,
    } {sc.loop_unroll_factor = 8 : i64, sc.parallel_access}
    "tpu.region"() ({
      %run_scoped3A = tpu.sem_alloc : memref<!tpu.dma_semaphore, #tpu.memory_space<semaphore_mem>>
      %dma_start3A_24 = arith.constant 0 : i32
      %dma_start3A_25 = arith.constant 0 : i32
      %dma_start3A_26 = tpu.memref_slice %arg7[%dma_start3A_24, %dma_start3A_25] : memref<64x1024xf32, #tpu.memory_space<vmem>> -> memref<32x1024xf32, #tpu.memory_space<vmem>>
      %dma_start3A_27 = arith.constant 0 : i32
      %dma_start3A_28 = tpu.memref_slice %arg5[%add3A_14, %dma_start3A_27] : memref<2048x1024xf32, #tpu.memory_space<hbm>> -> memref<32x1024xf32, #tpu.memory_space<hbm>>
      %dma_start3A_29 = arith.constant 0 : i32
      %dma_start3A_30 = tpu.memref_slice %arg5[%add3A_14, %dma_start3A_29] : memref<2048x1024xf32, #tpu.memory_space<hbm>> -> memref<32x1024xf32, #tpu.memory_space<hbm>>
      %dma_start3A_31 = arith.constant 0 : i32
      %dma_start3A_32 = arith.constant 0 : i32
      %dma_start3A_33 = tpu.memref_slice %arg7[%dma_start3A_31, %dma_start3A_32] : memref<64x1024xf32, #tpu.memory_space<vmem>> -> memref<32x1024xf32, #tpu.memory_space<vmem>>
      tpu.enqueue_dma source(%dma_start3A_33 : memref<32x1024xf32, #tpu.memory_space<vmem>>) target(%dma_start3A_30 : memref<32x1024xf32, #tpu.memory_space<hbm>>) target_semaphore(%run_scoped3A : memref<!tpu.dma_semaphore, #tpu.memory_space<semaphore_mem>>)
      %dma_wait3A_34 = arith.constant 0 : i32
      %dma_wait3A_35 = arith.constant 0 : i32
      %dma_wait3A_36 = tpu.memref_slice %arg7[%dma_wait3A_34, %dma_wait3A_35] : memref<64x1024xf32, #tpu.memory_space<vmem>> -> memref<32x1024xf32, #tpu.memory_space<vmem>>
      %dma_wait3A_37 = arith.constant 0 : i32
      %dma_wait3A_38 = tpu.memref_slice %arg5[%add3A_14, %dma_wait3A_37] : memref<2048x1024xf32, #tpu.memory_space<hbm>> -> memref<32x1024xf32, #tpu.memory_space<hbm>>
      %dma_wait3A_39 = arith.constant 0 : i32
      %dma_wait3A_40 = tpu.memref_slice %arg5[%add3A_14, %dma_wait3A_39] : memref<2048x1024xf32, #tpu.memory_space<hbm>> -> memref<32x1024xf32, #tpu.memory_space<hbm>>
      %dma_wait3A_41 = arith.constant 0 : i32
      %dma_wait3A_42 = arith.constant 0 : i32
      %dma_wait3A_43 = tpu.memref_slice %arg7[%dma_wait3A_41, %dma_wait3A_42] : memref<64x1024xf32, #tpu.memory_space<vmem>> -> memref<32x1024xf32, #tpu.memory_space<vmem>>
      tpu.wait_dma2 semaphore(%run_scoped3A : memref<!tpu.dma_semaphore, #tpu.memory_space<semaphore_mem>>) src(%dma_wait3A_43 : memref<32x1024xf32, #tpu.memory_space<vmem>>) dst(%dma_wait3A_40 : memref<32x1024xf32, #tpu.memory_space<hbm>>)
      tpu.yield
    }) : () -> ()
    return
  }
}

module attributes {stable_mosaic.version = 14 : i64} {
  func.func @_meta_body(%arg0: memref<32x128xi32, #tpu.memory_space<vmem>>, %arg1: memref<32x128xi32, #tpu.memory_space<vmem>>, %arg2: memref<8x128xi32, #tpu.memory_space<vmem>>) attributes {dimension_semantics = [], scalar_prefetch = 0 : i64, scratch_operands = 0 : i64, tpu.core_type = #tpu.core_type<tc>} {
    %get3A = arith.constant 0 : index
    %get3A_0 = arith.constant 0 : index
    %get3A_1 = vector.load %arg0[%get3A, %get3A_0] : memref<32x128xi32, #tpu.memory_space<vmem>>, vector<32x128xi32>
    %tile3A = tpu.concatenate %get3A_1, %get3A_1, %get3A_1, %get3A_1, %get3A_1, %get3A_1, %get3A_1, %get3A_1 in 0 : vector<32x128xi32>, vector<32x128xi32>, vector<32x128xi32>, vector<32x128xi32>, vector<32x128xi32>, vector<32x128xi32>, vector<32x128xi32>, vector<32x128xi32> -> vector<256x128xi32>
    %iota3A = tpu.iota {dimensions = array<i32: 0>} : vector<256x128xi32>
    %jit3A = arith.constant 32 : i32
    %div3A = vector.broadcast %jit3A : i32 to vector<256x128xi32>
    %div3A_2 = arith.divsi %iota3A, %div3A : vector<256x128xi32>
    %sign3A = arith.constant 0 : i32
    %sign3A_3 = vector.broadcast %sign3A : i32 to vector<256x128xi32>
    %sign3A_4 = arith.cmpi sgt, %iota3A, %sign3A_3 : vector<256x128xi32>
    %sign3A_5 = arith.extui %sign3A_4 : vector<256x128xi1> to vector<256x128xi32>
    %sign3A_6 = arith.constant 0 : i32
    %sign3A_7 = vector.broadcast %sign3A_6 : i32 to vector<256x128xi32>
    %sign3A_8 = arith.cmpi slt, %iota3A, %sign3A_7 : vector<256x128xi32>
    %sign3A_9 = arith.extui %sign3A_8 : vector<256x128xi1> to vector<256x128xi32>
    %sign3A_10 = arith.subi %sign3A_5, %sign3A_9 : vector<256x128xi32>
    %sign3A_11 = arith.constant 0 : i32
    %sign3A_12 = arith.cmpi sgt, %jit3A, %sign3A_11 : i32
    %sign3A_13 = arith.extui %sign3A_12 : i1 to i32
    %sign3A_14 = arith.constant 0 : i32
    %sign3A_15 = arith.cmpi slt, %jit3A, %sign3A_14 : i32
    %sign3A_16 = arith.extui %sign3A_15 : i1 to i32
    %sign3A_17 = arith.subi %sign3A_13, %sign3A_16 : i32
    %ne3A = vector.broadcast %sign3A_17 : i32 to vector<256x128xi32>
    %ne3A_18 = arith.cmpi ne, %sign3A_10, %ne3A : vector<256x128xi32>
    %rem3A = vector.broadcast %jit3A : i32 to vector<256x128xi32>
    %rem3A_19 = arith.remsi %iota3A, %rem3A : vector<256x128xi32>
    %ne3A_20 = arith.constant 0 : i32
    %ne3A_21 = vector.broadcast %ne3A_20 : i32 to vector<256x128xi32>
    %ne3A_22 = arith.cmpi ne, %rem3A_19, %ne3A_21 : vector<256x128xi32>
    %and3A = arith.andi %ne3A_18, %ne3A_22 : vector<256x128xi1>
    %sub3A = arith.constant 1 : i32
    %sub3A_23 = vector.broadcast %sub3A : i32 to vector<256x128xi32>
    %sub3A_24 = arith.subi %div3A_2, %sub3A_23 : vector<256x128xi32>
    %select_n3A = arith.select %and3A, %sub3A_24, %div3A_2 : vector<256x128xi1>, vector<256x128xi32>
    %eq3A = arith.cmpi eq, %tile3A, %select_n3A : vector<256x128xi32>
    %convert_element_type3A = arith.extui %eq3A : vector<256x128xi1> to vector<256x128xi32>
    %convert_element_type3A_25 = arith.sitofp %convert_element_type3A : vector<256x128xi32> to vector<256x128xf32>
    %iota3A_26 = tpu.iota {dimensions = array<i32: 0>} : vector<128x128xi32>
    %iota3A_27 = tpu.iota {dimensions = array<i32: 1>} : vector<128x128xi32>
    %le3A = arith.cmpi sle, %iota3A_26, %iota3A_27 : vector<128x128xi32>
    %convert_element_type3A_28 = arith.extui %le3A : vector<128x128xi1> to vector<128x128xi32>
    %convert_element_type3A_29 = arith.sitofp %convert_element_type3A_28 : vector<128x128xi32> to vector<128x128xf32>
    %dot_general3A = arith.constant dense<0.000000e+00> : vector<256x128xf32>
    %dot_general3A_30 = tpu.matmul %convert_element_type3A_25, %convert_element_type3A_29, %dot_general3A {dimension_numbers = #tpu.dot_dimension_numbers<[1], [0], [0], [1], [0, 0, 1, 1], [], []>, transpose_lhs_hint = false} : vector<256x128xf32>, vector<128x128xf32>, vector<256x128xf32> -> vector<256x128xf32>
    %slice3A = vector.extract_strided_slice %dot_general3A_30 {offsets = [0, 127], sizes = [256, 1], strides = [1, 1]} : vector<256x128xf32> to vector<256x1xf32>
    %iota3A_31 = tpu.iota {dimensions = array<i32: 0>} : vector<256x256xi32>
    %iota3A_32 = tpu.iota {dimensions = array<i32: 1>} : vector<256x256xi32>
    %jit3A_33 = arith.constant 32 : i32
    %div3A_34 = vector.broadcast %jit3A_33 : i32 to vector<256x256xi32>
    %div3A_35 = arith.divsi %iota3A_31, %div3A_34 : vector<256x256xi32>
    %sign3A_36 = arith.constant 0 : i32
    %sign3A_37 = vector.broadcast %sign3A_36 : i32 to vector<256x256xi32>
    %sign3A_38 = arith.cmpi sgt, %iota3A_31, %sign3A_37 : vector<256x256xi32>
    %sign3A_39 = arith.extui %sign3A_38 : vector<256x256xi1> to vector<256x256xi32>
    %sign3A_40 = arith.constant 0 : i32
    %sign3A_41 = vector.broadcast %sign3A_40 : i32 to vector<256x256xi32>
    %sign3A_42 = arith.cmpi slt, %iota3A_31, %sign3A_41 : vector<256x256xi32>
    %sign3A_43 = arith.extui %sign3A_42 : vector<256x256xi1> to vector<256x256xi32>
    %sign3A_44 = arith.subi %sign3A_39, %sign3A_43 : vector<256x256xi32>
    %sign3A_45 = arith.constant 0 : i32
    %sign3A_46 = arith.cmpi sgt, %jit3A_33, %sign3A_45 : i32
    %sign3A_47 = arith.extui %sign3A_46 : i1 to i32
    %sign3A_48 = arith.constant 0 : i32
    %sign3A_49 = arith.cmpi slt, %jit3A_33, %sign3A_48 : i32
    %sign3A_50 = arith.extui %sign3A_49 : i1 to i32
    %sign3A_51 = arith.subi %sign3A_47, %sign3A_50 : i32
    %ne3A_52 = vector.broadcast %sign3A_51 : i32 to vector<256x256xi32>
    %ne3A_53 = arith.cmpi ne, %sign3A_44, %ne3A_52 : vector<256x256xi32>
    %rem3A_54 = vector.broadcast %jit3A_33 : i32 to vector<256x256xi32>
    %rem3A_55 = arith.remsi %iota3A_31, %rem3A_54 : vector<256x256xi32>
    %ne3A_56 = arith.constant 0 : i32
    %ne3A_57 = vector.broadcast %ne3A_56 : i32 to vector<256x256xi32>
    %ne3A_58 = arith.cmpi ne, %rem3A_55, %ne3A_57 : vector<256x256xi32>
    %and3A_59 = arith.andi %ne3A_53, %ne3A_58 : vector<256x256xi1>
    %sub3A_60 = arith.constant 1 : i32
    %sub3A_61 = vector.broadcast %sub3A_60 : i32 to vector<256x256xi32>
    %sub3A_62 = arith.subi %div3A_35, %sub3A_61 : vector<256x256xi32>
    %select_n3A_63 = arith.select %and3A_59, %sub3A_62, %div3A_35 : vector<256x256xi1>, vector<256x256xi32>
    %jit3A_64 = arith.constant 32 : i32
    %div3A_65 = vector.broadcast %jit3A_64 : i32 to vector<256x256xi32>
    %div3A_66 = arith.divsi %iota3A_32, %div3A_65 : vector<256x256xi32>
    %sign3A_67 = arith.constant 0 : i32
    %sign3A_68 = vector.broadcast %sign3A_67 : i32 to vector<256x256xi32>
    %sign3A_69 = arith.cmpi sgt, %iota3A_32, %sign3A_68 : vector<256x256xi32>
    %sign3A_70 = arith.extui %sign3A_69 : vector<256x256xi1> to vector<256x256xi32>
    %sign3A_71 = arith.constant 0 : i32
    %sign3A_72 = vector.broadcast %sign3A_71 : i32 to vector<256x256xi32>
    %sign3A_73 = arith.cmpi slt, %iota3A_32, %sign3A_72 : vector<256x256xi32>
    %sign3A_74 = arith.extui %sign3A_73 : vector<256x256xi1> to vector<256x256xi32>
    %sign3A_75 = arith.subi %sign3A_70, %sign3A_74 : vector<256x256xi32>
    %sign3A_76 = arith.constant 0 : i32
    %sign3A_77 = arith.cmpi sgt, %jit3A_64, %sign3A_76 : i32
    %sign3A_78 = arith.extui %sign3A_77 : i1 to i32
    %sign3A_79 = arith.constant 0 : i32
    %sign3A_80 = arith.cmpi slt, %jit3A_64, %sign3A_79 : i32
    %sign3A_81 = arith.extui %sign3A_80 : i1 to i32
    %sign3A_82 = arith.subi %sign3A_78, %sign3A_81 : i32
    %ne3A_83 = vector.broadcast %sign3A_82 : i32 to vector<256x256xi32>
    %ne3A_84 = arith.cmpi ne, %sign3A_75, %ne3A_83 : vector<256x256xi32>
    %rem3A_85 = vector.broadcast %jit3A_64 : i32 to vector<256x256xi32>
    %rem3A_86 = arith.remsi %iota3A_32, %rem3A_85 : vector<256x256xi32>
    %ne3A_87 = arith.constant 0 : i32
    %ne3A_88 = vector.broadcast %ne3A_87 : i32 to vector<256x256xi32>
    %ne3A_89 = arith.cmpi ne, %rem3A_86, %ne3A_88 : vector<256x256xi32>
    %and3A_90 = arith.andi %ne3A_84, %ne3A_89 : vector<256x256xi1>
    %sub3A_91 = arith.constant 1 : i32
    %sub3A_92 = vector.broadcast %sub3A_91 : i32 to vector<256x256xi32>
    %sub3A_93 = arith.subi %div3A_66, %sub3A_92 : vector<256x256xi32>
    %select_n3A_94 = arith.select %and3A_90, %sub3A_93, %div3A_66 : vector<256x256xi1>, vector<256x256xi32>
    %eq3A_95 = arith.cmpi eq, %select_n3A_63, %select_n3A_94 : vector<256x256xi32>
    %jit3A_96 = arith.constant 32 : i32
    %eq3A_97 = arith.constant 0 : i32
    %eq3A_98 = arith.cmpi eq, %jit3A_96, %eq3A_97 : i32
    %jit3A_99 = arith.constant 1 : i32
    %select_n3A_100 = arith.select %eq3A_98, %jit3A_99, %jit3A_96 : i32
    %rem3A_101 = vector.broadcast %select_n3A_100 : i32 to vector<256x256xi32>
    %rem3A_102 = arith.remsi %iota3A_32, %rem3A_101 : vector<256x256xi32>
    %ne3A_103 = arith.constant 0 : i32
    %ne3A_104 = vector.broadcast %ne3A_103 : i32 to vector<256x256xi32>
    %ne3A_105 = arith.cmpi ne, %rem3A_102, %ne3A_104 : vector<256x256xi32>
    %lt3A = arith.constant 0 : i32
    %lt3A_106 = vector.broadcast %lt3A : i32 to vector<256x256xi32>
    %lt3A_107 = arith.cmpi slt, %rem3A_102, %lt3A_106 : vector<256x256xi32>
    %lt3A_108 = arith.constant 0 : i32
    %lt3A_109 = arith.cmpi slt, %select_n3A_100, %lt3A_108 : i32
    %ne3A_110 = vector.broadcast %lt3A_109 : i1 to vector<256x256xi1>
    %ne3A_111 = vector.broadcast %ne3A_110 : vector<256x256xi1> to vector<256x256xi1>
    %ne3A_112 = arith.xori %lt3A_107, %ne3A_111 : vector<256x256xi1>
    %and3A_113 = arith.andi %ne3A_112, %ne3A_105 : vector<256x256xi1>
    %add3A = vector.broadcast %select_n3A_100 : i32 to vector<256x256xi32>
    %add3A_114 = arith.addi %rem3A_102, %add3A : vector<256x256xi32>
    %select_n3A_115 = arith.select %and3A_113, %add3A_114, %rem3A_102 : vector<256x256xi1>, vector<256x256xi32>
    %jit3A_116 = arith.constant 32 : i32
    %eq3A_117 = arith.constant 0 : i32
    %eq3A_118 = arith.cmpi eq, %jit3A_116, %eq3A_117 : i32
    %jit3A_119 = arith.constant 1 : i32
    %select_n3A_120 = arith.select %eq3A_118, %jit3A_119, %jit3A_116 : i32
    %rem3A_121 = vector.broadcast %select_n3A_120 : i32 to vector<256x256xi32>
    %rem3A_122 = arith.remsi %iota3A_31, %rem3A_121 : vector<256x256xi32>
    %ne3A_123 = arith.constant 0 : i32
    %ne3A_124 = vector.broadcast %ne3A_123 : i32 to vector<256x256xi32>
    %ne3A_125 = arith.cmpi ne, %rem3A_122, %ne3A_124 : vector<256x256xi32>
    %lt3A_126 = arith.constant 0 : i32
    %lt3A_127 = vector.broadcast %lt3A_126 : i32 to vector<256x256xi32>
    %lt3A_128 = arith.cmpi slt, %rem3A_122, %lt3A_127 : vector<256x256xi32>
    %lt3A_129 = arith.constant 0 : i32
    %lt3A_130 = arith.cmpi slt, %select_n3A_120, %lt3A_129 : i32
    %ne3A_131 = vector.broadcast %lt3A_130 : i1 to vector<256x256xi1>
    %ne3A_132 = vector.broadcast %ne3A_131 : vector<256x256xi1> to vector<256x256xi1>
    %ne3A_133 = arith.xori %lt3A_128, %ne3A_132 : vector<256x256xi1>
    %and3A_134 = arith.andi %ne3A_133, %ne3A_125 : vector<256x256xi1>
    %add3A_135 = vector.broadcast %select_n3A_120 : i32 to vector<256x256xi32>
    %add3A_136 = arith.addi %rem3A_122, %add3A_135 : vector<256x256xi32>
    %select_n3A_137 = arith.select %and3A_134, %add3A_136, %rem3A_122 : vector<256x256xi1>, vector<256x256xi32>
    %lt3A_138 = arith.cmpi slt, %select_n3A_115, %select_n3A_137 : vector<256x256xi32>
    %and3A_139 = arith.andi %eq3A_95, %lt3A_138 : vector<256x256xi1>
    %convert_element_type3A_140 = arith.extui %and3A_139 : vector<256x256xi1> to vector<256x256xi32>
    %convert_element_type3A_141 = arith.sitofp %convert_element_type3A_140 : vector<256x256xi32> to vector<256x256xf32>
    %convert_element_type3A_142 = arith.extui %eq3A_95 : vector<256x256xi1> to vector<256x256xi32>
    %convert_element_type3A_143 = arith.sitofp %convert_element_type3A_142 : vector<256x256xi32> to vector<256x256xf32>
    %jit3A_144 = arith.constant 32 : i32
    %eq3A_145 = arith.constant 0 : i32
    %eq3A_146 = arith.cmpi eq, %jit3A_144, %eq3A_145 : i32
    %jit3A_147 = arith.constant 1 : i32
    %select_n3A_148 = arith.select %eq3A_146, %jit3A_147, %jit3A_144 : i32
    %rem3A_149 = vector.broadcast %select_n3A_148 : i32 to vector<256x256xi32>
    %rem3A_150 = arith.remsi %iota3A_32, %rem3A_149 : vector<256x256xi32>
    %ne3A_151 = arith.constant 0 : i32
    %ne3A_152 = vector.broadcast %ne3A_151 : i32 to vector<256x256xi32>
    %ne3A_153 = arith.cmpi ne, %rem3A_150, %ne3A_152 : vector<256x256xi32>
    %lt3A_154 = arith.constant 0 : i32
    %lt3A_155 = vector.broadcast %lt3A_154 : i32 to vector<256x256xi32>
    %lt3A_156 = arith.cmpi slt, %rem3A_150, %lt3A_155 : vector<256x256xi32>
    %lt3A_157 = arith.constant 0 : i32
    %lt3A_158 = arith.cmpi slt, %select_n3A_148, %lt3A_157 : i32
    %ne3A_159 = vector.broadcast %lt3A_158 : i1 to vector<256x256xi1>
    %ne3A_160 = vector.broadcast %ne3A_159 : vector<256x256xi1> to vector<256x256xi1>
    %ne3A_161 = arith.xori %lt3A_156, %ne3A_160 : vector<256x256xi1>
    %and3A_162 = arith.andi %ne3A_161, %ne3A_153 : vector<256x256xi1>
    %add3A_163 = vector.broadcast %select_n3A_148 : i32 to vector<256x256xi32>
    %add3A_164 = arith.addi %rem3A_150, %add3A_163 : vector<256x256xi32>
    %select_n3A_165 = arith.select %and3A_162, %add3A_164, %rem3A_150 : vector<256x256xi1>, vector<256x256xi32>
    %eq3A_166 = arith.constant 0 : i32
    %eq3A_167 = vector.broadcast %eq3A_166 : i32 to vector<256x256xi32>
    %eq3A_168 = arith.cmpi eq, %select_n3A_165, %eq3A_167 : vector<256x256xi32>
    %jit3A_169 = arith.constant 32 : i32
    %div3A_170 = vector.broadcast %jit3A_169 : i32 to vector<256x256xi32>
    %div3A_171 = arith.divsi %iota3A_32, %div3A_170 : vector<256x256xi32>
    %sign3A_172 = arith.constant 0 : i32
    %sign3A_173 = vector.broadcast %sign3A_172 : i32 to vector<256x256xi32>
    %sign3A_174 = arith.cmpi sgt, %iota3A_32, %sign3A_173 : vector<256x256xi32>
    %sign3A_175 = arith.extui %sign3A_174 : vector<256x256xi1> to vector<256x256xi32>
    %sign3A_176 = arith.constant 0 : i32
    %sign3A_177 = vector.broadcast %sign3A_176 : i32 to vector<256x256xi32>
    %sign3A_178 = arith.cmpi slt, %iota3A_32, %sign3A_177 : vector<256x256xi32>
    %sign3A_179 = arith.extui %sign3A_178 : vector<256x256xi1> to vector<256x256xi32>
    %sign3A_180 = arith.subi %sign3A_175, %sign3A_179 : vector<256x256xi32>
    %sign3A_181 = arith.constant 0 : i32
    %sign3A_182 = arith.cmpi sgt, %jit3A_169, %sign3A_181 : i32
    %sign3A_183 = arith.extui %sign3A_182 : i1 to i32
    %sign3A_184 = arith.constant 0 : i32
    %sign3A_185 = arith.cmpi slt, %jit3A_169, %sign3A_184 : i32
    %sign3A_186 = arith.extui %sign3A_185 : i1 to i32
    %sign3A_187 = arith.subi %sign3A_183, %sign3A_186 : i32
    %ne3A_188 = vector.broadcast %sign3A_187 : i32 to vector<256x256xi32>
    %ne3A_189 = arith.cmpi ne, %sign3A_180, %ne3A_188 : vector<256x256xi32>
    %rem3A_190 = vector.broadcast %jit3A_169 : i32 to vector<256x256xi32>
    %rem3A_191 = arith.remsi %iota3A_32, %rem3A_190 : vector<256x256xi32>
    %ne3A_192 = arith.constant 0 : i32
    %ne3A_193 = vector.broadcast %ne3A_192 : i32 to vector<256x256xi32>
    %ne3A_194 = arith.cmpi ne, %rem3A_191, %ne3A_193 : vector<256x256xi32>
    %and3A_195 = arith.andi %ne3A_189, %ne3A_194 : vector<256x256xi1>
    %sub3A_196 = arith.constant 1 : i32
    %sub3A_197 = vector.broadcast %sub3A_196 : i32 to vector<256x256xi32>
    %sub3A_198 = arith.subi %div3A_171, %sub3A_197 : vector<256x256xi32>
    %select_n3A_199 = arith.select %and3A_195, %sub3A_198, %div3A_171 : vector<256x256xi1>, vector<256x256xi32>
    %jit3A_200 = arith.constant 32 : i32
    %div3A_201 = vector.broadcast %jit3A_200 : i32 to vector<256x256xi32>
    %div3A_202 = arith.divsi %iota3A_31, %div3A_201 : vector<256x256xi32>
    %sign3A_203 = arith.constant 0 : i32
    %sign3A_204 = vector.broadcast %sign3A_203 : i32 to vector<256x256xi32>
    %sign3A_205 = arith.cmpi sgt, %iota3A_31, %sign3A_204 : vector<256x256xi32>
    %sign3A_206 = arith.extui %sign3A_205 : vector<256x256xi1> to vector<256x256xi32>
    %sign3A_207 = arith.constant 0 : i32
    %sign3A_208 = vector.broadcast %sign3A_207 : i32 to vector<256x256xi32>
    %sign3A_209 = arith.cmpi slt, %iota3A_31, %sign3A_208 : vector<256x256xi32>
    %sign3A_210 = arith.extui %sign3A_209 : vector<256x256xi1> to vector<256x256xi32>
    %sign3A_211 = arith.subi %sign3A_206, %sign3A_210 : vector<256x256xi32>
    %sign3A_212 = arith.constant 0 : i32
    %sign3A_213 = arith.cmpi sgt, %jit3A_200, %sign3A_212 : i32
    %sign3A_214 = arith.extui %sign3A_213 : i1 to i32
    %sign3A_215 = arith.constant 0 : i32
    %sign3A_216 = arith.cmpi slt, %jit3A_200, %sign3A_215 : i32
    %sign3A_217 = arith.extui %sign3A_216 : i1 to i32
    %sign3A_218 = arith.subi %sign3A_214, %sign3A_217 : i32
    %ne3A_219 = vector.broadcast %sign3A_218 : i32 to vector<256x256xi32>
    %ne3A_220 = arith.cmpi ne, %sign3A_211, %ne3A_219 : vector<256x256xi32>
    %rem3A_221 = vector.broadcast %jit3A_200 : i32 to vector<256x256xi32>
    %rem3A_222 = arith.remsi %iota3A_31, %rem3A_221 : vector<256x256xi32>
    %ne3A_223 = arith.constant 0 : i32
    %ne3A_224 = vector.broadcast %ne3A_223 : i32 to vector<256x256xi32>
    %ne3A_225 = arith.cmpi ne, %rem3A_222, %ne3A_224 : vector<256x256xi32>
    %and3A_226 = arith.andi %ne3A_220, %ne3A_225 : vector<256x256xi1>
    %sub3A_227 = arith.constant 1 : i32
    %sub3A_228 = vector.broadcast %sub3A_227 : i32 to vector<256x256xi32>
    %sub3A_229 = arith.subi %div3A_202, %sub3A_228 : vector<256x256xi32>
    %select_n3A_230 = arith.select %and3A_226, %sub3A_229, %div3A_202 : vector<256x256xi1>, vector<256x256xi32>
    %lt3A_231 = arith.cmpi slt, %select_n3A_199, %select_n3A_230 : vector<256x256xi32>
    %and3A_232 = arith.andi %lt3A_231, %eq3A_168 : vector<256x256xi1>
    %convert_element_type3A_233 = arith.extui %and3A_232 : vector<256x256xi1> to vector<256x256xi32>
    %convert_element_type3A_234 = arith.sitofp %convert_element_type3A_233 : vector<256x256xi32> to vector<256x256xf32>
    %jit3A_235 = arith.constant 32 : i32
    %div3A_236 = vector.broadcast %jit3A_235 : i32 to vector<256x256xi32>
    %div3A_237 = arith.divsi %iota3A_32, %div3A_236 : vector<256x256xi32>
    %sign3A_238 = arith.constant 0 : i32
    %sign3A_239 = vector.broadcast %sign3A_238 : i32 to vector<256x256xi32>
    %sign3A_240 = arith.cmpi sgt, %iota3A_32, %sign3A_239 : vector<256x256xi32>
    %sign3A_241 = arith.extui %sign3A_240 : vector<256x256xi1> to vector<256x256xi32>
    %sign3A_242 = arith.constant 0 : i32
    %sign3A_243 = vector.broadcast %sign3A_242 : i32 to vector<256x256xi32>
    %sign3A_244 = arith.cmpi slt, %iota3A_32, %sign3A_243 : vector<256x256xi32>
    %sign3A_245 = arith.extui %sign3A_244 : vector<256x256xi1> to vector<256x256xi32>
    %sign3A_246 = arith.subi %sign3A_241, %sign3A_245 : vector<256x256xi32>
    %sign3A_247 = arith.constant 0 : i32
    %sign3A_248 = arith.cmpi sgt, %jit3A_235, %sign3A_247 : i32
    %sign3A_249 = arith.extui %sign3A_248 : i1 to i32
    %sign3A_250 = arith.constant 0 : i32
    %sign3A_251 = arith.cmpi slt, %jit3A_235, %sign3A_250 : i32
    %sign3A_252 = arith.extui %sign3A_251 : i1 to i32
    %sign3A_253 = arith.subi %sign3A_249, %sign3A_252 : i32
    %ne3A_254 = vector.broadcast %sign3A_253 : i32 to vector<256x256xi32>
    %ne3A_255 = arith.cmpi ne, %sign3A_246, %ne3A_254 : vector<256x256xi32>
    %rem3A_256 = vector.broadcast %jit3A_235 : i32 to vector<256x256xi32>
    %rem3A_257 = arith.remsi %iota3A_32, %rem3A_256 : vector<256x256xi32>
    %ne3A_258 = arith.constant 0 : i32
    %ne3A_259 = vector.broadcast %ne3A_258 : i32 to vector<256x256xi32>
    %ne3A_260 = arith.cmpi ne, %rem3A_257, %ne3A_259 : vector<256x256xi32>
    %and3A_261 = arith.andi %ne3A_255, %ne3A_260 : vector<256x256xi1>
    %sub3A_262 = arith.constant 1 : i32
    %sub3A_263 = vector.broadcast %sub3A_262 : i32 to vector<256x256xi32>
    %sub3A_264 = arith.subi %div3A_237, %sub3A_263 : vector<256x256xi32>
    %select_n3A_265 = arith.select %and3A_261, %sub3A_264, %div3A_237 : vector<256x256xi1>, vector<256x256xi32>
    %jit3A_266 = arith.constant 32 : i32
    %div3A_267 = vector.broadcast %jit3A_266 : i32 to vector<256x256xi32>
    %div3A_268 = arith.divsi %iota3A_31, %div3A_267 : vector<256x256xi32>
    %sign3A_269 = arith.constant 0 : i32
    %sign3A_270 = vector.broadcast %sign3A_269 : i32 to vector<256x256xi32>
    %sign3A_271 = arith.cmpi sgt, %iota3A_31, %sign3A_270 : vector<256x256xi32>
    %sign3A_272 = arith.extui %sign3A_271 : vector<256x256xi1> to vector<256x256xi32>
    %sign3A_273 = arith.constant 0 : i32
    %sign3A_274 = vector.broadcast %sign3A_273 : i32 to vector<256x256xi32>
    %sign3A_275 = arith.cmpi slt, %iota3A_31, %sign3A_274 : vector<256x256xi32>
    %sign3A_276 = arith.extui %sign3A_275 : vector<256x256xi1> to vector<256x256xi32>
    %sign3A_277 = arith.subi %sign3A_272, %sign3A_276 : vector<256x256xi32>
    %sign3A_278 = arith.constant 0 : i32
    %sign3A_279 = arith.cmpi sgt, %jit3A_266, %sign3A_278 : i32
    %sign3A_280 = arith.extui %sign3A_279 : i1 to i32
    %sign3A_281 = arith.constant 0 : i32
    %sign3A_282 = arith.cmpi slt, %jit3A_266, %sign3A_281 : i32
    %sign3A_283 = arith.extui %sign3A_282 : i1 to i32
    %sign3A_284 = arith.subi %sign3A_280, %sign3A_283 : i32
    %ne3A_285 = vector.broadcast %sign3A_284 : i32 to vector<256x256xi32>
    %ne3A_286 = arith.cmpi ne, %sign3A_277, %ne3A_285 : vector<256x256xi32>
    %rem3A_287 = vector.broadcast %jit3A_266 : i32 to vector<256x256xi32>
    %rem3A_288 = arith.remsi %iota3A_31, %rem3A_287 : vector<256x256xi32>
    %ne3A_289 = arith.constant 0 : i32
    %ne3A_290 = vector.broadcast %ne3A_289 : i32 to vector<256x256xi32>
    %ne3A_291 = arith.cmpi ne, %rem3A_288, %ne3A_290 : vector<256x256xi32>
    %and3A_292 = arith.andi %ne3A_286, %ne3A_291 : vector<256x256xi1>
    %sub3A_293 = arith.constant 1 : i32
    %sub3A_294 = vector.broadcast %sub3A_293 : i32 to vector<256x256xi32>
    %sub3A_295 = arith.subi %div3A_268, %sub3A_294 : vector<256x256xi32>
    %select_n3A_296 = arith.select %and3A_292, %sub3A_295, %div3A_268 : vector<256x256xi1>, vector<256x256xi32>
    %le3A_297 = arith.cmpi sle, %select_n3A_265, %select_n3A_296 : vector<256x256xi32>
    %and3A_298 = arith.andi %le3A_297, %eq3A_168 : vector<256x256xi1>
    %convert_element_type3A_299 = arith.extui %and3A_298 : vector<256x256xi1> to vector<256x256xi32>
    %convert_element_type3A_300 = arith.sitofp %convert_element_type3A_299 : vector<256x256xi32> to vector<256x256xf32>
    %dot_general3A_301 = arith.constant dense<0.000000e+00> : vector<256x1xf32>
    %dot_general3A_302 = tpu.matmul %convert_element_type3A_141, %slice3A, %dot_general3A_301 {dimension_numbers = #tpu.dot_dimension_numbers<[1], [0], [0], [1], [0, 0, 1, 1], [], []>, transpose_lhs_hint = false} : vector<256x256xf32>, vector<256x1xf32>, vector<256x1xf32> -> vector<256x1xf32>
    %dot_general3A_303 = arith.constant dense<0.000000e+00> : vector<256x1xf32>
    %dot_general3A_304 = tpu.matmul %convert_element_type3A_143, %slice3A, %dot_general3A_303 {dimension_numbers = #tpu.dot_dimension_numbers<[1], [0], [0], [1], [0, 0, 1, 1], [], []>, transpose_lhs_hint = false} : vector<256x256xf32>, vector<256x1xf32>, vector<256x1xf32> -> vector<256x1xf32>
    %add3A_305 = arith.constant 2.550000e+02 : f32
    %add3A_306 = vector.broadcast %add3A_305 : f32 to vector<256x1xf32>
    %add3A_307 = arith.addf %dot_general3A_304, %add3A_306 : vector<256x1xf32>
    %mul3A = arith.constant 3.906250e-03 : f32
    %mul3A_308 = vector.broadcast %mul3A : f32 to vector<256x1xf32>
    %mul3A_309 = arith.mulf %add3A_307, %mul3A_308 : vector<256x1xf32>
    %floor3A = math.floor %mul3A_309 : vector<256x1xf32>
    %dot_general3A_310 = arith.constant dense<0.000000e+00> : vector<256x1xf32>
    %dot_general3A_311 = tpu.matmul %convert_element_type3A_234, %floor3A, %dot_general3A_310 {dimension_numbers = #tpu.dot_dimension_numbers<[1], [0], [0], [1], [0, 0, 1, 1], [], []>, transpose_lhs_hint = false} : vector<256x256xf32>, vector<256x1xf32>, vector<256x1xf32> -> vector<256x1xf32>
    %mul3A_312 = arith.constant 2.560000e+02 : f32
    %mul3A_313 = vector.broadcast %mul3A_312 : f32 to vector<256x1xf32>
    %mul3A_314 = arith.mulf %dot_general3A_311, %mul3A_313 : vector<256x1xf32>
    %dot_general3A_315 = arith.constant dense<0.000000e+00> : vector<256x1xf32>
    %dot_general3A_316 = tpu.matmul %convert_element_type3A_300, %floor3A, %dot_general3A_315 {dimension_numbers = #tpu.dot_dimension_numbers<[1], [0], [0], [1], [0, 0, 1, 1], [], []>, transpose_lhs_hint = false} : vector<256x256xf32>, vector<256x1xf32>, vector<256x1xf32> -> vector<256x1xf32>
    %sub3A_317 = arith.constant 1.000000e+00 : f32
    %sub3A_318 = vector.broadcast %sub3A_317 : f32 to vector<256x128xf32>
    %sub3A_319 = arith.subf %dot_general3A_30, %sub3A_318 : vector<256x128xf32>
    %add3A_320 = vector.broadcast %dot_general3A_302 : vector<256x1xf32> to vector<256x128xf32>
    %add3A_321 = arith.addf %sub3A_319, %add3A_320 : vector<256x128xf32>
    %add3A_322 = vector.broadcast %mul3A_314 : vector<256x1xf32> to vector<256x128xf32>
    %add3A_323 = arith.addf %add3A_321, %add3A_322 : vector<256x128xf32>
    %mul3A_324 = arith.mulf %convert_element_type3A_25, %add3A_323 : vector<256x128xf32>
    %reshape3A = vector.shape_cast %mul3A_324 : vector<256x128xf32> to vector<8x32x128xf32>
    %reduce_sum3A = arith.constant dense<0.000000e+00> : vector<32x128xf32>
    %reduce_sum3A_325 = vector.multi_reduction <add>, %reshape3A, %reduce_sum3A [0] : vector<8x32x128xf32> to vector<32x128xf32>
    %convert_element_type3A_326 = arith.fptosi %reduce_sum3A_325 : vector<32x128xf32> to vector<32x128xi32>
    %swap3A = arith.constant 0 : index
    %swap3A_327 = arith.constant 0 : index
    %swap3A_328 = vector.load %arg1[%swap3A, %swap3A_327] : memref<32x128xi32, #tpu.memory_space<vmem>>, vector<32x128xi32>
    tpu.vector_store %arg1[%swap3A, %swap3A_327], %convert_element_type3A_326 {strides = array<i32>} : memref<32x128xi32, #tpu.memory_space<vmem>>, vector<32x128xi32>,
    %reduce_max3A = vector.shape_cast %dot_general3A_316 : vector<256x1xf32> to vector<1x256x1xf32>
    %reduce_max3A_329 = arith.constant dense<0xFF800000> : vector<1xf32>
    %reduce_max3A_330 = vector.multi_reduction <maximumf>, %reduce_max3A, %reduce_max3A_329 [1, 2] : vector<1x256x1xf32> to vector<1xf32>
    %reduce_max3A_331 = vector.shape_cast %reduce_max3A_330 : vector<1xf32> to vector<1x1x1xf32>
    %reduce_max3A_332 = vector.extract %reduce_max3A_331[0, 0, 0] : f32 from vector<1x1x1xf32>
    %broadcast_in_dim3A = vector.broadcast %reduce_max3A_332 : f32 to vector<1x1xf32>
    %iota3A_333 = tpu.iota {dimensions = array<i32: 1>} : vector<1x128xi32>
    %convert_element_type3A_334 = arith.sitofp %iota3A_333 : vector<1x128xi32> to vector<1x128xf32>
    %sub3A_335 = arith.constant 1.000000e+00 : f32
    %sub3A_336 = vector.broadcast %sub3A_335 : f32 to vector<1x1xf32>
    %sub3A_337 = arith.subf %broadcast_in_dim3A, %sub3A_336 : vector<1x1xf32>
    %min3A = vector.broadcast %sub3A_337 : vector<1x1xf32> to vector<1x128xf32>
    %min3A_338 = arith.minimumf %convert_element_type3A_334, %min3A : vector<1x128xf32>
    %iota3A_339 = tpu.iota {dimensions = array<i32: 0>} : vector<256x1xi32>
    %jit3A_340 = arith.constant 32 : i32
    %eq3A_341 = arith.constant 0 : i32
    %eq3A_342 = arith.cmpi eq, %jit3A_340, %eq3A_341 : i32
    %jit3A_343 = arith.constant 1 : i32
    %select_n3A_344 = arith.select %eq3A_342, %jit3A_343, %jit3A_340 : i32
    %rem3A_345 = vector.broadcast %select_n3A_344 : i32 to vector<256x1xi32>
    %rem3A_346 = arith.remsi %iota3A_339, %rem3A_345 : vector<256x1xi32>
    %ne3A_347 = arith.constant 0 : i32
    %ne3A_348 = vector.broadcast %ne3A_347 : i32 to vector<256x1xi32>
    %ne3A_349 = arith.cmpi ne, %rem3A_346, %ne3A_348 : vector<256x1xi32>
    %lt3A_350 = arith.constant 0 : i32
    %lt3A_351 = vector.broadcast %lt3A_350 : i32 to vector<256x1xi32>
    %lt3A_352 = arith.cmpi slt, %rem3A_346, %lt3A_351 : vector<256x1xi32>
    %lt3A_353 = arith.constant 0 : i32
    %lt3A_354 = arith.cmpi slt, %select_n3A_344, %lt3A_353 : i32
    %ne3A_355 = vector.broadcast %lt3A_354 : i1 to vector<256x1xi1>
    %ne3A_356 = vector.broadcast %ne3A_355 : vector<256x1xi1> to vector<256x1xi1>
    %ne3A_357 = arith.xori %lt3A_352, %ne3A_356 : vector<256x1xi1>
    %and3A_358 = arith.andi %ne3A_357, %ne3A_349 : vector<256x1xi1>
    %add3A_359 = vector.broadcast %select_n3A_344 : i32 to vector<256x1xi32>
    %add3A_360 = arith.addi %rem3A_346, %add3A_359 : vector<256x1xi32>
    %select_n3A_361 = arith.select %and3A_358, %add3A_360, %rem3A_346 : vector<256x1xi1>, vector<256x1xi32>
    %eq3A_362 = arith.constant 0 : i32
    %eq3A_363 = vector.broadcast %eq3A_362 : i32 to vector<256x1xi32>
    %eq3A_364 = arith.cmpi eq, %select_n3A_361, %eq3A_363 : vector<256x1xi32>
    %convert_element_type3A_365 = arith.extui %eq3A_364 : vector<256x1xi1> to vector<256x1xi32>
    %convert_element_type3A_366 = arith.sitofp %convert_element_type3A_365 : vector<256x1xi32> to vector<256x1xf32>
    %le3A_367 = vector.broadcast %dot_general3A_316 : vector<256x1xf32> to vector<256x128xf32>
    %le3A_368 = vector.broadcast %min3A_338 : vector<1x128xf32> to vector<256x128xf32>
    %le3A_369 = arith.cmpf ole, %le3A_367, %le3A_368 : vector<256x128xf32>
    %convert_element_type3A_370 = arith.extui %le3A_369 : vector<256x128xi1> to vector<256x128xi32>
    %convert_element_type3A_371 = arith.sitofp %convert_element_type3A_370 : vector<256x128xi32> to vector<256x128xf32>
    %mul3A_372 = vector.broadcast %convert_element_type3A_366 : vector<256x1xf32> to vector<256x128xf32>
    %mul3A_373 = arith.mulf %convert_element_type3A_371, %mul3A_372 : vector<256x128xf32>
    %reduce_sum3A_374 = arith.constant dense<0.000000e+00> : vector<128xf32>
    %reduce_sum3A_375 = vector.multi_reduction <add>, %mul3A_373, %reduce_sum3A_374 [0] : vector<256x128xf32> to vector<128xf32>
    %broadcast_in_dim3A_376 = vector.shape_cast %reduce_sum3A_375 : vector<128xf32> to vector<1x128xf32>
    %convert_element_type3A_377 = arith.fptosi %broadcast_in_dim3A_376 : vector<1x128xf32> to vector<1x128xi32>
    %swap3A_378 = arith.constant 0 : index
    %swap3A_379 = arith.constant 0 : index
    %swap3A_380 = vector.load %arg2[%swap3A_378, %swap3A_379] : memref<8x128xi32, #tpu.memory_space<vmem>>, vector<1x128xi32>
    tpu.vector_store %arg2[%swap3A_378, %swap3A_379], %convert_element_type3A_377 {strides = array<i32>} : memref<8x128xi32, #tpu.memory_space<vmem>>, vector<1x128xi32>,
    %broadcast_in_dim3A_381 = vector.shape_cast %broadcast_in_dim3A : vector<1x1xf32> to vector<1x1xf32>
    %broadcast_in_dim3A_382 = vector.broadcast %broadcast_in_dim3A_381 : vector<1x1xf32> to vector<1x128xf32>
    %convert_element_type3A_383 = arith.fptosi %broadcast_in_dim3A_382 : vector<1x128xf32> to vector<1x128xi32>
    %swap3A_384 = arith.constant 1 : index
    %swap3A_385 = arith.constant 0 : index
    %swap3A_386 = vector.load %arg2[%swap3A_384, %swap3A_385] : memref<8x128xi32, #tpu.memory_space<vmem>>, vector<1x128xi32>
    tpu.vector_store %arg2[%swap3A_384, %swap3A_385], %convert_element_type3A_383 {strides = array<i32>} : memref<8x128xi32, #tpu.memory_space<vmem>>, vector<1x128xi32>,
    return
  }
}

module attributes {stable_mosaic.version = 14 : i64} {
  func.func @_gmm_body(%arg0: i32, %arg1: memref<25xi32, #tpu.memory_space<smem>>, %arg2: memref<256x1024xf32, #tpu.memory_space<vmem>>, %arg3: memref<1x1024x2048xf32, #tpu.memory_space<vmem>>, %arg4: memref<1x1024x2048xf32, #tpu.memory_space<vmem>>, %arg5: memref<1x2048x1024xf32, #tpu.memory_space<vmem>>, %arg6: memref<1x1x256xf32, #tpu.memory_space<vmem>>, %arg7: memref<256x1024xf32, #tpu.memory_space<vmem>>) attributes {dimension_semantics = [#tpu.dimension_semantics<arbitrary>], iteration_bounds = array<i64: 24>, scalar_prefetch = 1 : i64, scratch_operands = 0 : i64, tpu.core_type = #tpu.core_type<tc>, window_params = [{transform_indices = @transform_0, window_bounds = array<i64: 256, 1024>}, {transform_indices = @transform_1, window_bounds = array<i64: 1, 1024, 2048>}, {transform_indices = @transform_2, window_bounds = array<i64: 1, 1024, 2048>}, {transform_indices = @transform_3, window_bounds = array<i64: 1, 2048, 1024>}, {transform_indices = @transform_4, window_bounds = array<i64: 1, 1, 256>}, {transform_indices = @transform_5, window_bounds = array<i64: 256, 1024>}]} {
    %get3A = arith.constant 24 : index
    %get3A_0 = memref.load %arg1[%get3A] : memref<25xi32, #tpu.memory_space<smem>>
    %lt3A = arith.cmpi slt, %arg0, %get3A_0 : i32
    %convert_element_type3A = arith.extui %lt3A : i1 to i32
    %cond3A = arith.constant 0 : i32
    %cond3A_1 = arith.cmpi ne, %convert_element_type3A, %cond3A : i32
    scf.if %cond3A_1 {
      %get3A_2 = arith.constant 0 : index
      %get3A_3 = arith.constant 0 : index
      %get3A_4 = vector.load %arg2[%get3A_2, %get3A_3] : memref<256x1024xf32, #tpu.memory_space<vmem>>, vector<256x1024xf32>
      %convert_element_type3A_5 = arith.truncf %get3A_4 : vector<256x1024xf32> to vector<256x1024xbf16>
      %get3A_6 = arith.constant 0 : index
      %get3A_7 = arith.constant 0 : index
      %get3A_8 = arith.constant 0 : index
      %get3A_9 = vector.load %arg6[%get3A_6, %get3A_7, %get3A_8] : memref<1x1x256xf32, #tpu.memory_space<vmem>>, vector<1x1x256xf32>
      %get3A_10 = vector.shape_cast %get3A_9 : vector<1x1x256xf32> to vector<256xf32>
      %broadcast_in_dim3A = vector.shape_cast %get3A_10 : vector<256xf32> to vector<256x1xf32>
      %get3A_11 = arith.constant 0 : index
      %get3A_12 = arith.constant 0 : index
      %get3A_13 = arith.constant 0 : index
      %get3A_14 = vector.load %arg3[%get3A_11, %get3A_12, %get3A_13] : memref<1x1024x2048xf32, #tpu.memory_space<vmem>>, vector<1x1024x512xf32>
      %get3A_15 = vector.shape_cast %get3A_14 : vector<1x1024x512xf32> to vector<1024x512xf32>
      %convert_element_type3A_16 = arith.truncf %get3A_15 : vector<1024x512xf32> to vector<1024x512xbf16>
      %get3A_17 = arith.constant 0 : index
      %get3A_18 = arith.constant 0 : index
      %get3A_19 = arith.constant 0 : index
      %get3A_20 = vector.load %arg4[%get3A_17, %get3A_18, %get3A_19] : memref<1x1024x2048xf32, #tpu.memory_space<vmem>>, vector<1x1024x512xf32>
      %get3A_21 = vector.shape_cast %get3A_20 : vector<1x1024x512xf32> to vector<1024x512xf32>
      %convert_element_type3A_22 = arith.truncf %get3A_21 : vector<1024x512xf32> to vector<1024x512xbf16>
      %get3A_23 = arith.constant 0 : index
      %get3A_24 = arith.constant 0 : index
      %get3A_25 = arith.constant 0 : index
      %get3A_26 = vector.load %arg5[%get3A_23, %get3A_24, %get3A_25] : memref<1x2048x1024xf32, #tpu.memory_space<vmem>>, vector<1x512x1024xf32>
      %get3A_27 = vector.shape_cast %get3A_26 : vector<1x512x1024xf32> to vector<512x1024xf32>
      %convert_element_type3A_28 = arith.truncf %get3A_27 : vector<512x1024xf32> to vector<512x1024xbf16>
      %dot_general3A = arith.constant dense<0.000000e+00> : vector<256x512xf32>
      %dot_general3A_29 = tpu.matmul %convert_element_type3A_5, %convert_element_type3A_16, %dot_general3A {dimension_numbers = #tpu.dot_dimension_numbers<[1], [0], [0], [1], [0, 0, 1, 1], [], []>, transpose_lhs_hint = false} : vector<256x1024xbf16>, vector<1024x512xbf16>, vector<256x512xf32> -> vector<256x512xf32>
      %dot_general3A_30 = arith.constant dense<0.000000e+00> : vector<256x512xf32>
      %dot_general3A_31 = tpu.matmul %convert_element_type3A_5, %convert_element_type3A_22, %dot_general3A_30 {dimension_numbers = #tpu.dot_dimension_numbers<[1], [0], [0], [1], [0, 0, 1, 1], [], []>, transpose_lhs_hint = false} : vector<256x1024xbf16>, vector<1024x512xbf16>, vector<256x512xf32> -> vector<256x512xf32>
      %logistic3A = arith.negf %dot_general3A_29 : vector<256x512xf32>
      %logistic3A_32 = math.exp %logistic3A : vector<256x512xf32>
      %logistic3A_33 = arith.constant 1.000000e+00 : f32
      %logistic3A_34 = vector.broadcast %logistic3A_33 : f32 to vector<256x512xf32>
      %logistic3A_35 = arith.addf %logistic3A_34, %logistic3A_32 : vector<256x512xf32>
      %logistic3A_36 = arith.divf %logistic3A_34, %logistic3A_35 : vector<256x512xf32>
      %mul3A = arith.mulf %dot_general3A_29, %logistic3A_36 : vector<256x512xf32>
      %mul3A_37 = arith.mulf %mul3A, %dot_general3A_31 : vector<256x512xf32>
      %mul3A_38 = vector.broadcast %broadcast_in_dim3A : vector<256x1xf32> to vector<256x512xf32>
      %mul3A_39 = arith.mulf %mul3A_37, %mul3A_38 : vector<256x512xf32>
      %convert_element_type3A_40 = arith.truncf %mul3A_39 : vector<256x512xf32> to vector<256x512xbf16>
      %dot_general3A_41 = arith.constant dense<0.000000e+00> : vector<256x1024xf32>
      %dot_general3A_42 = tpu.matmul %convert_element_type3A_40, %convert_element_type3A_28, %dot_general3A_41 {dimension_numbers = #tpu.dot_dimension_numbers<[1], [0], [0], [1], [0, 0, 1, 1], [], []>, transpose_lhs_hint = false} : vector<256x512xbf16>, vector<512x1024xbf16>, vector<256x1024xf32> -> vector<256x1024xf32>
      %swap3A = arith.constant 0 : index
      %swap3A_43 = arith.constant 0 : index
      %swap3A_44 = vector.load %arg7[%swap3A, %swap3A_43] : memref<256x1024xf32, #tpu.memory_space<vmem>>, vector<256x1024xf32>
      tpu.vector_store %arg7[%swap3A, %swap3A_43], %dot_general3A_42 {strides = array<i32>} : memref<256x1024xf32, #tpu.memory_space<vmem>>, vector<256x1024xf32>,
      %get3A_45 = arith.constant 0 : index
      %get3A_46 = arith.constant 0 : index
      %get3A_47 = arith.constant 512 : index
      %get3A_48 = vector.load %arg3[%get3A_45, %get3A_46, %get3A_47] : memref<1x1024x2048xf32, #tpu.memory_space<vmem>>, vector<1x1024x512xf32>
      %get3A_49 = vector.shape_cast %get3A_48 : vector<1x1024x512xf32> to vector<1024x512xf32>
      %convert_element_type3A_50 = arith.truncf %get3A_49 : vector<1024x512xf32> to vector<1024x512xbf16>
      %get3A_51 = arith.constant 0 : index
      %get3A_52 = arith.constant 0 : index
      %get3A_53 = arith.constant 512 : index
      %get3A_54 = vector.load %arg4[%get3A_51, %get3A_52, %get3A_53] : memref<1x1024x2048xf32, #tpu.memory_space<vmem>>, vector<1x1024x512xf32>
      %get3A_55 = vector.shape_cast %get3A_54 : vector<1x1024x512xf32> to vector<1024x512xf32>
      %convert_element_type3A_56 = arith.truncf %get3A_55 : vector<1024x512xf32> to vector<1024x512xbf16>
      %get3A_57 = arith.constant 0 : index
      %get3A_58 = arith.constant 512 : index
      %get3A_59 = arith.constant 0 : index
      %get3A_60 = vector.load %arg5[%get3A_57, %get3A_58, %get3A_59] : memref<1x2048x1024xf32, #tpu.memory_space<vmem>>, vector<1x512x1024xf32>
      %get3A_61 = vector.shape_cast %get3A_60 : vector<1x512x1024xf32> to vector<512x1024xf32>
      %convert_element_type3A_62 = arith.truncf %get3A_61 : vector<512x1024xf32> to vector<512x1024xbf16>
      %dot_general3A_63 = arith.constant dense<0.000000e+00> : vector<256x512xf32>
      %dot_general3A_64 = tpu.matmul %convert_element_type3A_5, %convert_element_type3A_50, %dot_general3A_63 {dimension_numbers = #tpu.dot_dimension_numbers<[1], [0], [0], [1], [0, 0, 1, 1], [], []>, transpose_lhs_hint = false} : vector<256x1024xbf16>, vector<1024x512xbf16>, vector<256x512xf32> -> vector<256x512xf32>
      %dot_general3A_65 = arith.constant dense<0.000000e+00> : vector<256x512xf32>
      %dot_general3A_66 = tpu.matmul %convert_element_type3A_5, %convert_element_type3A_56, %dot_general3A_65 {dimension_numbers = #tpu.dot_dimension_numbers<[1], [0], [0], [1], [0, 0, 1, 1], [], []>, transpose_lhs_hint = false} : vector<256x1024xbf16>, vector<1024x512xbf16>, vector<256x512xf32> -> vector<256x512xf32>
      %logistic3A_67 = arith.negf %dot_general3A_64 : vector<256x512xf32>
      %logistic3A_68 = math.exp %logistic3A_67 : vector<256x512xf32>
      %logistic3A_69 = arith.constant 1.000000e+00 : f32
      %logistic3A_70 = vector.broadcast %logistic3A_69 : f32 to vector<256x512xf32>
      %logistic3A_71 = arith.addf %logistic3A_70, %logistic3A_68 : vector<256x512xf32>
      %logistic3A_72 = arith.divf %logistic3A_70, %logistic3A_71 : vector<256x512xf32>
      %mul3A_73 = arith.mulf %dot_general3A_64, %logistic3A_72 : vector<256x512xf32>
      %mul3A_74 = arith.mulf %mul3A_73, %dot_general3A_66 : vector<256x512xf32>
      %mul3A_75 = vector.broadcast %broadcast_in_dim3A : vector<256x1xf32> to vector<256x512xf32>
      %mul3A_76 = arith.mulf %mul3A_74, %mul3A_75 : vector<256x512xf32>
      %convert_element_type3A_77 = arith.truncf %mul3A_76 : vector<256x512xf32> to vector<256x512xbf16>
      %dot_general3A_78 = arith.constant dense<0.000000e+00> : vector<256x1024xf32>
      %dot_general3A_79 = tpu.matmul %convert_element_type3A_77, %convert_element_type3A_62, %dot_general3A_78 {dimension_numbers = #tpu.dot_dimension_numbers<[1], [0], [0], [1], [0, 0, 1, 1], [], []>, transpose_lhs_hint = false} : vector<256x512xbf16>, vector<512x1024xbf16>, vector<256x1024xf32> -> vector<256x1024xf32>
      %get3A_80 = arith.constant 0 : index
      %get3A_81 = arith.constant 0 : index
      %get3A_82 = vector.load %arg7[%get3A_80, %get3A_81] : memref<256x1024xf32, #tpu.memory_space<vmem>>, vector<256x1024xf32>
      %add3A = arith.addf %get3A_82, %dot_general3A_79 : vector<256x1024xf32>
      %swap3A_83 = arith.constant 0 : index
      %swap3A_84 = arith.constant 0 : index
      %swap3A_85 = vector.load %arg7[%swap3A_83, %swap3A_84] : memref<256x1024xf32, #tpu.memory_space<vmem>>, vector<256x1024xf32>
      tpu.vector_store %arg7[%swap3A_83, %swap3A_84], %add3A {strides = array<i32>} : memref<256x1024xf32, #tpu.memory_space<vmem>>, vector<256x1024xf32>,
      %get3A_86 = arith.constant 0 : index
      %get3A_87 = arith.constant 0 : index
      %get3A_88 = arith.constant 1024 : index
      %get3A_89 = vector.load %arg3[%get3A_86, %get3A_87, %get3A_88] : memref<1x1024x2048xf32, #tpu.memory_space<vmem>>, vector<1x1024x512xf32>
      %get3A_90 = vector.shape_cast %get3A_89 : vector<1x1024x512xf32> to vector<1024x512xf32>
      %convert_element_type3A_91 = arith.truncf %get3A_90 : vector<1024x512xf32> to vector<1024x512xbf16>
      %get3A_92 = arith.constant 0 : index
      %get3A_93 = arith.constant 0 : index
      %get3A_94 = arith.constant 1024 : index
      %get3A_95 = vector.load %arg4[%get3A_92, %get3A_93, %get3A_94] : memref<1x1024x2048xf32, #tpu.memory_space<vmem>>, vector<1x1024x512xf32>
      %get3A_96 = vector.shape_cast %get3A_95 : vector<1x1024x512xf32> to vector<1024x512xf32>
      %convert_element_type3A_97 = arith.truncf %get3A_96 : vector<1024x512xf32> to vector<1024x512xbf16>
      %get3A_98 = arith.constant 0 : index
      %get3A_99 = arith.constant 1024 : index
      %get3A_100 = arith.constant 0 : index
      %get3A_101 = vector.load %arg5[%get3A_98, %get3A_99, %get3A_100] : memref<1x2048x1024xf32, #tpu.memory_space<vmem>>, vector<1x512x1024xf32>
      %get3A_102 = vector.shape_cast %get3A_101 : vector<1x512x1024xf32> to vector<512x1024xf32>
      %convert_element_type3A_103 = arith.truncf %get3A_102 : vector<512x1024xf32> to vector<512x1024xbf16>
      %dot_general3A_104 = arith.constant dense<0.000000e+00> : vector<256x512xf32>
      %dot_general3A_105 = tpu.matmul %convert_element_type3A_5, %convert_element_type3A_91, %dot_general3A_104 {dimension_numbers = #tpu.dot_dimension_numbers<[1], [0], [0], [1], [0, 0, 1, 1], [], []>, transpose_lhs_hint = false} : vector<256x1024xbf16>, vector<1024x512xbf16>, vector<256x512xf32> -> vector<256x512xf32>
      %dot_general3A_106 = arith.constant dense<0.000000e+00> : vector<256x512xf32>
      %dot_general3A_107 = tpu.matmul %convert_element_type3A_5, %convert_element_type3A_97, %dot_general3A_106 {dimension_numbers = #tpu.dot_dimension_numbers<[1], [0], [0], [1], [0, 0, 1, 1], [], []>, transpose_lhs_hint = false} : vector<256x1024xbf16>, vector<1024x512xbf16>, vector<256x512xf32> -> vector<256x512xf32>
      %logistic3A_108 = arith.negf %dot_general3A_105 : vector<256x512xf32>
      %logistic3A_109 = math.exp %logistic3A_108 : vector<256x512xf32>
      %logistic3A_110 = arith.constant 1.000000e+00 : f32
      %logistic3A_111 = vector.broadcast %logistic3A_110 : f32 to vector<256x512xf32>
      %logistic3A_112 = arith.addf %logistic3A_111, %logistic3A_109 : vector<256x512xf32>
      %logistic3A_113 = arith.divf %logistic3A_111, %logistic3A_112 : vector<256x512xf32>
      %mul3A_114 = arith.mulf %dot_general3A_105, %logistic3A_113 : vector<256x512xf32>
      %mul3A_115 = arith.mulf %mul3A_114, %dot_general3A_107 : vector<256x512xf32>
      %mul3A_116 = vector.broadcast %broadcast_in_dim3A : vector<256x1xf32> to vector<256x512xf32>
      %mul3A_117 = arith.mulf %mul3A_115, %mul3A_116 : vector<256x512xf32>
      %convert_element_type3A_118 = arith.truncf %mul3A_117 : vector<256x512xf32> to vector<256x512xbf16>
      %dot_general3A_119 = arith.constant dense<0.000000e+00> : vector<256x1024xf32>
      %dot_general3A_120 = tpu.matmul %convert_element_type3A_118, %convert_element_type3A_103, %dot_general3A_119 {dimension_numbers = #tpu.dot_dimension_numbers<[1], [0], [0], [1], [0, 0, 1, 1], [], []>, transpose_lhs_hint = false} : vector<256x512xbf16>, vector<512x1024xbf16>, vector<256x1024xf32> -> vector<256x1024xf32>
      %get3A_121 = arith.constant 0 : index
      %get3A_122 = arith.constant 0 : index
      %get3A_123 = vector.load %arg7[%get3A_121, %get3A_122] : memref<256x1024xf32, #tpu.memory_space<vmem>>, vector<256x1024xf32>
      %add3A_124 = arith.addf %get3A_123, %dot_general3A_120 : vector<256x1024xf32>
      %swap3A_125 = arith.constant 0 : index
      %swap3A_126 = arith.constant 0 : index
      %swap3A_127 = vector.load %arg7[%swap3A_125, %swap3A_126] : memref<256x1024xf32, #tpu.memory_space<vmem>>, vector<256x1024xf32>
      tpu.vector_store %arg7[%swap3A_125, %swap3A_126], %add3A_124 {strides = array<i32>} : memref<256x1024xf32, #tpu.memory_space<vmem>>, vector<256x1024xf32>,
      %get3A_128 = arith.constant 0 : index
      %get3A_129 = arith.constant 0 : index
      %get3A_130 = arith.constant 1536 : index
      %get3A_131 = vector.load %arg3[%get3A_128, %get3A_129, %get3A_130] : memref<1x1024x2048xf32, #tpu.memory_space<vmem>>, vector<1x1024x512xf32>
      %get3A_132 = vector.shape_cast %get3A_131 : vector<1x1024x512xf32> to vector<1024x512xf32>
      %convert_element_type3A_133 = arith.truncf %get3A_132 : vector<1024x512xf32> to vector<1024x512xbf16>
      %get3A_134 = arith.constant 0 : index
      %get3A_135 = arith.constant 0 : index
      %get3A_136 = arith.constant 1536 : index
      %get3A_137 = vector.load %arg4[%get3A_134, %get3A_135, %get3A_136] : memref<1x1024x2048xf32, #tpu.memory_space<vmem>>, vector<1x1024x512xf32>
      %get3A_138 = vector.shape_cast %get3A_137 : vector<1x1024x512xf32> to vector<1024x512xf32>
      %convert_element_type3A_139 = arith.truncf %get3A_138 : vector<1024x512xf32> to vector<1024x512xbf16>
      %get3A_140 = arith.constant 0 : index
      %get3A_141 = arith.constant 1536 : index
      %get3A_142 = arith.constant 0 : index
      %get3A_143 = vector.load %arg5[%get3A_140, %get3A_141, %get3A_142] : memref<1x2048x1024xf32, #tpu.memory_space<vmem>>, vector<1x512x1024xf32>
      %get3A_144 = vector.shape_cast %get3A_143 : vector<1x512x1024xf32> to vector<512x1024xf32>
      %convert_element_type3A_145 = arith.truncf %get3A_144 : vector<512x1024xf32> to vector<512x1024xbf16>
      %dot_general3A_146 = arith.constant dense<0.000000e+00> : vector<256x512xf32>
      %dot_general3A_147 = tpu.matmul %convert_element_type3A_5, %convert_element_type3A_133, %dot_general3A_146 {dimension_numbers = #tpu.dot_dimension_numbers<[1], [0], [0], [1], [0, 0, 1, 1], [], []>, transpose_lhs_hint = false} : vector<256x1024xbf16>, vector<1024x512xbf16>, vector<256x512xf32> -> vector<256x512xf32>
      %dot_general3A_148 = arith.constant dense<0.000000e+00> : vector<256x512xf32>
      %dot_general3A_149 = tpu.matmul %convert_element_type3A_5, %convert_element_type3A_139, %dot_general3A_148 {dimension_numbers = #tpu.dot_dimension_numbers<[1], [0], [0], [1], [0, 0, 1, 1], [], []>, transpose_lhs_hint = false} : vector<256x1024xbf16>, vector<1024x512xbf16>, vector<256x512xf32> -> vector<256x512xf32>
      %logistic3A_150 = arith.negf %dot_general3A_147 : vector<256x512xf32>
      %logistic3A_151 = math.exp %logistic3A_150 : vector<256x512xf32>
      %logistic3A_152 = arith.constant 1.000000e+00 : f32
      %logistic3A_153 = vector.broadcast %logistic3A_152 : f32 to vector<256x512xf32>
      %logistic3A_154 = arith.addf %logistic3A_153, %logistic3A_151 : vector<256x512xf32>
      %logistic3A_155 = arith.divf %logistic3A_153, %logistic3A_154 : vector<256x512xf32>
      %mul3A_156 = arith.mulf %dot_general3A_147, %logistic3A_155 : vector<256x512xf32>
      %mul3A_157 = arith.mulf %mul3A_156, %dot_general3A_149 : vector<256x512xf32>
      %mul3A_158 = vector.broadcast %broadcast_in_dim3A : vector<256x1xf32> to vector<256x512xf32>
      %mul3A_159 = arith.mulf %mul3A_157, %mul3A_158 : vector<256x512xf32>
      %convert_element_type3A_160 = arith.truncf %mul3A_159 : vector<256x512xf32> to vector<256x512xbf16>
      %dot_general3A_161 = arith.constant dense<0.000000e+00> : vector<256x1024xf32>
      %dot_general3A_162 = tpu.matmul %convert_element_type3A_160, %convert_element_type3A_145, %dot_general3A_161 {dimension_numbers = #tpu.dot_dimension_numbers<[1], [0], [0], [1], [0, 0, 1, 1], [], []>, transpose_lhs_hint = false} : vector<256x512xbf16>, vector<512x1024xbf16>, vector<256x1024xf32> -> vector<256x1024xf32>
      %get3A_163 = arith.constant 0 : index
      %get3A_164 = arith.constant 0 : index
      %get3A_165 = vector.load %arg7[%get3A_163, %get3A_164] : memref<256x1024xf32, #tpu.memory_space<vmem>>, vector<256x1024xf32>
      %add3A_166 = arith.addf %get3A_165, %dot_general3A_162 : vector<256x1024xf32>
      %swap3A_167 = arith.constant 0 : index
      %swap3A_168 = arith.constant 0 : index
      %swap3A_169 = vector.load %arg7[%swap3A_167, %swap3A_168] : memref<256x1024xf32, #tpu.memory_space<vmem>>, vector<256x1024xf32>
      tpu.vector_store %arg7[%swap3A_167, %swap3A_168], %add3A_166 {strides = array<i32>} : memref<256x1024xf32, #tpu.memory_space<vmem>>, vector<256x1024xf32>,
    } else {
    }
    return
  }
  func.func @transform_0(%arg0: i32, %arg1: memref<25xi32, #tpu.memory_space<smem>>) -> (i32, i32) {
    %c0_i32 = arith.constant 0 : i32
    %c0_i32_0 = arith.constant 0 : i32
    return %arg0, %c0_i32 : i32, i32
  }
  func.func @transform_1(%arg0: i32, %arg1: memref<25xi32, #tpu.memory_space<smem>>) -> (i32, i32, i32) {
    %get3A = arith.index_cast %arg0 : i32 to index
    %get3A_0 = memref.load %arg1[%get3A] : memref<25xi32, #tpu.memory_space<smem>>
    %c0_i32 = arith.constant 0 : i32
    %c0_i32_1 = arith.constant 0 : i32
    %c0_i32_2 = arith.constant 0 : i32
    return %get3A_0, %c0_i32, %c0_i32_1 : i32, i32, i32
  }
  func.func @transform_2(%arg0: i32, %arg1: memref<25xi32, #tpu.memory_space<smem>>) -> (i32, i32, i32) {
    %get3A = arith.index_cast %arg0 : i32 to index
    %get3A_0 = memref.load %arg1[%get3A] : memref<25xi32, #tpu.memory_space<smem>>
    %c0_i32 = arith.constant 0 : i32
    %c0_i32_1 = arith.constant 0 : i32
    %c0_i32_2 = arith.constant 0 : i32
    return %get3A_0, %c0_i32, %c0_i32_1 : i32, i32, i32
  }
  func.func @transform_3(%arg0: i32, %arg1: memref<25xi32, #tpu.memory_space<smem>>) -> (i32, i32, i32) {
    %get3A = arith.index_cast %arg0 : i32 to index
    %get3A_0 = memref.load %arg1[%get3A] : memref<25xi32, #tpu.memory_space<smem>>
    %c0_i32 = arith.constant 0 : i32
    %c0_i32_1 = arith.constant 0 : i32
    %c0_i32_2 = arith.constant 0 : i32
    return %get3A_0, %c0_i32, %c0_i32_1 : i32, i32, i32
  }
  func.func @transform_4(%arg0: i32, %arg1: memref<25xi32, #tpu.memory_space<smem>>) -> (i32, i32, i32) {
    %c0_i32 = arith.constant 0 : i32
    %c0_i32_0 = arith.constant 0 : i32
    %c0_i32_1 = arith.constant 0 : i32
    return %arg0, %c0_i32, %c0_i32_0 : i32, i32, i32
  }
  func.func @transform_5(%arg0: i32, %arg1: memref<25xi32, #tpu.memory_space<smem>>) -> (i32, i32) {
    %c0_i32 = arith.constant 0 : i32
    %c0_i32_0 = arith.constant 0 : i32
    return %arg0, %c0_i32 : i32, i32
  }
}

</mosaic_0001>

<sc_bundles>
// kernel: kernel.6.cloned.1.call-start
scs
__scs_entry_jumppad:
0x0: {  	(pc) =	sbr.rel $0x88, $3  }
0x1: {  	(tag) =	ssettag $0x0;
	lr =	simm.s32 $0x1  }
0x2: {  	[smem:$0x3F9B] =	sst lr;
	_ =	strace $0xD0000000  }
0x3: {  	_ = 	snop  }
0x4: {  	_ = 	snop  }
0x5: {  	_ = 	snop  }
0x6: {  	_ = 	snop  }
0x7: {  	_ = 	snop  }
__scs_overlays_trampoline_lowered:
0x8: {  	[smem:$0x3FAA] =	sst s0  }
0x9: {  	[smem:$0x3FAB] =	sst s1  }
0xa: {  	[smem:$0x3FAC] =	sst s2  }
0xb: {  	[smem:$0x3FAD] =	sst s3  }
0xc: {  	[smem:$0x3FAE] =	sst s4  }
0xd: {  	[smem:$0x3FAF] =	sst s5  }
0xe: {  	[smem:$0x3FB0] =	sst s6  }
0xf: {  	[smem:$0x3FB1] =	sst s7  }
0x10: {  	[smem:$0x3FB2] =	sst s8  }
0x11: {  	[smem:$0x3FB3] =	sst s9;
	s0 =	simm.s32 @!p0 $0x0  }
0x12: {  	s1 =	sld [smem:$0x3F99];
	s0 =	simm.s32 @p0 $0x1  }
0x13: {  	[smem:$0x3FB4] =	sst s0;
	s0 =	simm.s32 @!p1 $0x0  }
0x14: {  	s2 =	sld [smem:$0x3F98];
	s0 =	simm.s32 @p1 $0x1  }
0x15: {  	[smem:$0x3FB5] =	sst s0;
	s0 =	simm.s32 @!p2 $0x0  }
0x16: {  	s3 =	sld [smem:$0x3FDB];
	s0 =	simm.s32 @p2 $0x1  }
0x17: {  	s4 =	simm.s32 $0x1BF5;
	[smem:$0x3FB7] =	sst s0  }
0x18: {  	s0 =	sld [smem:$0x3F9A];
	_ =	swait.ge [sflag:s4], $0x0  }
0x19: {  	s7 =	sld [smem:$0x3F9B]  }
0x1a: {  	s8 =	sadd.s32 $0xFFFFE003, lr  }
0x1b: {  	s9 =	sadd.s32 $0xFFFFFEF7, lr;
	s5 =	simm.s32 $0xFFFFFFFF;
	p2 =	slt.u32 s8, $0xFFFFF086  }
0x1c: {  	p1 =	slt.u32 s9, $0xF7A;
	s5 =	simm.s32 @!p2 $0x0  }
0x1d: {  	s5 =	simm.s32 @p1 $0x1;
	p0 =	seq.s32 s7, s2  }
0x1e: {  	s7 =	smul.u32 @!p0 $0xF7A, s2;
	p2 =	seq.s32 @!p0 s5, $0x0  }
0x1f: {  	s9 =	smul.u32 $0xF7A, s1;
	s8 =	simm.s32 @!p0 $0x1BF5;
	p2 =	por !p2, p0  }
0x20: {  	[sflag:s8] =	ssyncset.s32 @!p0 $0xFFFFF086;
	s6 =	sadd.s32 @!p0 s3, s7;
	s7 =	simm.s32 @!p0 $0x108  }
0x21: {  	s3 =	sadd.s32 s3, s9;
	s6 =	sadd.s32 @!p0 $0x88, s6;
	s7 =	simm.s32 @p2 $0x1082  }
0x22: {  	[simem:s7], [sflag:s8] =	dma.local @!p0 [hbm:s6], $0xF7A  }
0x23: {  	s9 =	sor.u32 $0xD0000000, s2;
	s6 =	simm.s32 $0x108;
	_ =	swait.ge @!p0 [sflag:s8], $0x0  }
0x24: {  	s3 =	sadd.s32 $0x88, s3;
	s6 =	simm.s32 @!p1 $0x1082;
	[sflag:s4] =	ssyncset.s32 $0xFFFFF086  }
0x25: {  	[simem:s6], [sflag:s4] =	dma.local [hbm:s3], $0xF7A  }
0x26: {  	[smem:$0x3F9B] =	sst s1;
	(tag) =	ssettag s2;
	_ =	strace s9  }
0x27: {  	s1 =	sld [smem:$0x3FAB]  }
0x28: {  	s2 =	sld [smem:$0x3FAC]  }
0x29: {  	s4 =	sld [smem:$0x3FAE]  }
0x2a: {  	p0 =	seq.s32 s5, $0x0;
	s5 =	sld [smem:$0x3FAF]  }
0x2b: {  	s6 =	sld [smem:$0x3FB0]  }
0x2c: {  	s7 =	sld [smem:$0x3FB1]  }
0x2d: {  	s3 =	simm.s32 $0x108;
	s8 =	sld [smem:$0x3FB2]  }
0x2e: {  	s3 =	simm.s32 @!p0 $0x1082;
	s9 =	sld [smem:$0x3FB3]  }
0x2f: {  	lr =	sadd.s32 s0, s3;
	s0 =	sld [smem:$0x3FAA]  }
0x30: {  	s3 =	sld [smem:$0x3FAD]  }
0x31: {  	[smem:$0x3FB6] =	sst s10  }
0x32: {  	s10 =	sld [smem:$0x3FB4];
	_ =	sdelay $0x3  }
0x33: {  	p0 =	seq.s32 s10, $0x1;
	s10 =	sld [smem:$0x3FB6];
	_ =	sdelay $0x3  }
0x34: {  	[smem:$0x3FB6] =	sst s10  }
0x35: {  	s10 =	sld [smem:$0x3FB5];
	_ =	sdelay $0x3  }
0x36: {  	p1 =	seq.s32 s10, $0x1;
	s10 =	sld [smem:$0x3FB6];
	_ =	sdelay $0x3  }
0x37: {  	[smem:$0x3FB6] =	sst s10  }
0x38: {  	s10 =	sld [smem:$0x3FB7]  }
0x39: {  	_ = 	snop;
	(pc) =	sbr.ind lr, $3  }
0x3a: {  	_ = 	snop  }
0x3b: {  	_ = 	snop  }
0x3c: {  	p2 =	seq.s32 s10, $0x1;
	s10 =	sld [smem:$0x3FB6]  }
0x3d: {  	_ =	shalt  }
0x3e: {  	_ =	shalt  }
0x3f: {  	_ =	shalt  }
0x40: {  	_ =	shalt  }
0x41: {  	_ =	shalt  }
0x42: {  	_ =	shalt  }
0x43: {  	_ =	shalt  }
0x44: {  	_ =	shalt  }
0x45: {  	_ =	shalt  }
0x46: {  	_ =	shalt  }
0x47: {  	_ =	shalt  }
0x48: {  	_ =	shalt  }
0x49: {  	_ =	shalt  }
0x4a: {  	_ =	shalt  }
0x4b: {  	_ =	shalt  }
0x4c: {  	_ =	shalt  }
0x4d: {  	_ =	shalt  }
0x4e: {  	_ =	shalt  }
0x4f: {  	_ =	shalt  }
0x50: {  	_ =	shalt  }
0x51: {  	_ =	shalt  }
0x52: {  	_ =	shalt  }
0x53: {  	_ =	shalt  }
0x54: {  	_ =	shalt  }
0x55: {  	_ =	shalt  }
0x56: {  	_ =	shalt  }
0x57: {  	_ =	shalt  }
0x58: {  	_ =	shalt  }
0x59: {  	_ =	shalt  }
0x5a: {  	_ =	shalt  }
0x5b: {  	_ =	shalt  }
0x5c: {  	_ =	shalt  }
0x5d: {  	_ =	shalt  }
0x5e: {  	_ =	shalt  }
0x5f: {  	_ =	shalt  }
0x60: {  	_ =	shalt  }
0x61: {  	_ =	shalt  }
0x62: {  	_ =	shalt  }
0x63: {  	_ =	shalt  }
0x64: {  	_ =	shalt  }
0x65: {  	_ =	shalt  }
0x66: {  	_ =	shalt  }
0x67: {  	_ =	shalt  }
0x68: {  	_ =	shalt  }
0x69: {  	_ =	shalt  }
0x6a: {  	_ =	shalt  }
0x6b: {  	_ =	shalt  }
0x6c: {  	_ =	shalt  }
0x6d: {  	_ =	shalt  }
0x6e: {  	_ =	shalt  }
0x6f: {  	_ =	shalt  }
0x70: {  	_ =	shalt  }
0x71: {  	_ =	shalt  }
0x72: {  	_ =	shalt  }
0x73: {  	_ =	shalt  }
0x74: {  	_ =	shalt  }
0x75: {  	_ =	shalt  }
0x76: {  	_ =	shalt  }
0x77: {  	_ =	shalt  }
0x78: {  	_ =	shalt  }
0x79: {  	_ =	shalt  }
0x7a: {  	_ =	shalt  }
0x7b: {  	_ =	shalt  }
0x7c: {  	_ =	shalt  }
0x7d: {  	_ =	shalt  }
0x7e: {  	_ =	shalt  }
0x7f: {  	_ =	shalt  }
0x80: {  	_ =	shalt  }
0x81: {  	_ =	shalt  }
0x82: {  	_ =	shalt  }
0x83: {  	_ =	shalt  }
0x84: {  	_ =	shalt  }
0x85: {  	_ =	shalt  }
0x86: {  	_ =	shalt  }
0x87: {  	_ =	shalt  }
.Lfunc_end0:
.L_simem_size_0:
called_computation_lowered:
.L_overlay_start_0:
0x88: {  	s2 =	sld [smem:$0x3FD9]  }
0x89: {  	s3 =	sld [smem:$0x3FFE];
	_ =	sdelay $0x1  }
0x8a: {  	s1 =	srdreg.scid  }
0x8b: {  	s0 =	sand.u32 $0x1, s1  }
0x8c: {  	s17 =	sshll.u32 s0, $0xA;
	s2 =	sadd.s32 s3, s2  }
0x8d: {  	s2 =	sadd.s32 s2, s17  }
0x8e: {  	[smem:$0x3FC2] =	sst s2  }
0x8f: {  	_ = 	snop  }
0x90: {  	s2 =	sld [smem:$0x3FC9]  }
0x91: {  	s18 =	sld [smem:$0x3FD0];
	(tm) =	ssettm $0x1  }
0x92: {  	s4 =	sld [smem:$0x3FFB];
	_ =	sdelay $0x3  }
0x93: {  	_ =	strace s4  }
0x94: {  	s4 =	sld [smem:$0x3FFC];
	_ =	sdelay $0x3  }
0x95: {  	_ =	strace s4  }
0x96: {  	s4 =	sld [smem:$0x3FFD];
	_ =	sdelay $0x3  }
0x97: {  	_ =	strace s4  }
0x98: {  	_ =	strace $0x8FFFFFFF  }
0x99: {  	s19 =	sld [smem:$0x3FDB];
	_ =	sdelay $0x1  }
0x9a: {  	s5 =	simm.s32 $_scs_section_size  }
0x9b: {  	s6 =	simm.s32 $_size__tile_overlayer_lowered;
	s7 =	simm.s32 $_tile_overlayer_lowered  }
0x9c: {  	s22 =	simm.s32 $0x1BFF;
	s21 =	sshll.u32 s7, $0x1;
	s4 =	sadd.s32 s5, s19  }
0x9d: {  	s8 =	simm.s32 $0x0;
	s20 =	sshll.u32 s6, $0x1;
	s6 =	sadd.s32 s21, s4  }
0x9e: {  	[timem:s8], [sflag:s22] =	dma.local [hbm:s6], s20  }
0x9f: {  	_ =	swait.ge [sflag:s22], s20  }
0xa0: {  	s5 =	ssub.s32 $0x0, s20;
	[sflag:s22] =	ssyncset.done $0x0  }
0xa1: {  	[sflag:s22] =	ssyncadd.s32 s5;
	_ =	sdelay $0x1  }
0xa2: {  	s23 =	simm.s32 $0x1B8B  }
0xa3: {  	_ =	swait.ge [sflag:s23], $0x1  }
0xa4: {  	[sflag:s23] =	ssyncset.done $0x0  }
0xa5: {  	s25 =	simm.s32 $0x1B8E;
	s24 =	sld [smem:$0x3FFE];
	[sflag:s23] =	ssyncadd.s32 $0xFFFFFFFF  }
0xa6: {  	s26 =	simm.s32 $execute0_lowered;
	[smem:$0x3FD2] =	sst s25  }
0xa7: {  	s6 =	sshll.u32 s26, $0x1;
	_ =	strace $0x80000046;
	[dreg:$0x1] =	wrdreg $0xFFFFFFFF  }
0xa8: {  	s28 =	simm.s32 $_size_execute0_lowered;
	s4 =	sadd.s32 s4, s6;
	[dreg:$0x0] =	wrdreg $0x0  }
0xa9: {  	s6 =	sshll.u32 s28, $0x1;
	[dreg:$0x2] =	wrdreg s4  }
0xaa: {  	[dreg:$0x3] =	wrdreg s6  }
0xab: {  	[dreg:$0x4] =	wrdreg $0xC0  }
0xac: {  	_ =	task [dreg:s8], $0x5FFFF  }
0xad: {  	[dreg:$0x1] =	wrdreg $0xFFFFFFFF  }
0xae: {  	[dreg:$0x0] =	wrdreg $0x60  }
0xaf: {  	[dreg:$0x2] =	wrdreg s2  }
0xb0: {  	[dreg:$0x3] =	wrdreg s24  }
0xb1: {  	[dreg:$0x4] =	wrdreg s18  }
0xb2: {  	[dreg:$0x5] =	wrdreg $0x9  }
0xb3: {  	_ =	task.clear_ibuf [dreg:s8], $0x6FFFF;
	_ =	strace $0x90000046  }
0xb4: {  	s29 =	simm.s32 $0x9;
	_ =	strace $0x80000048  }
0xb5: {  	_ =	swait.ge [sflag:s29], $0x1  }
0xb6: {  	[sflag:s29] =	ssyncadd.s32 $0xFFFFFFFF  }
0xb7: {  	_ =	strace $0x90000048  }
0xb8: {  	_ =	sfence  }
0xb9: {  	s30 =	sld [smem:$0x0];
	_ =	sdelay $0x2  }
0xba: {  	s31 =	sshll.u32 s1, $0xD;
	s1 =	sshrl.u32 s1, $0x2  }
0xbb: {  	s3 =	sand.u32 $0x4000, s31;
	s1 =	sadd.s32 s1, s30  }
0xbc: {  	s0 =	sor.u32 s3, s0;
	s1 =	sshll.u32 s1, $0x11  }
0xbd: {  	s0 =	sor.u32 s1, s0  }
0xbe: {  	s0 =	sadd.s32 $0x8F2B, s0  }
0xbf: {  	[sflag:s0] =	ssyncadd.remote.s32 $0x1  }
0xc0: {  	_ =	sfence.sel $0xFFFF  }
0xc1: {  	[dreg:$0x0] =	wrdreg $0xFFFFFFFF;
	(pc) =	sbr.abs _section_cstart, $3  }
0xc2: {  	[dreg:$0x1] =	wrdreg $0xFFFFFFFF  }
0xc3: {  	_ =	task.clear_ibuf [dreg:s8], $0x2FFFF;
	_ =	strace $0x9FFFFFFF  }
0xc4: {  	(tm) =	ssettm $0x7FFFFFFF  }
0xc5: {  	_ =	shalt  }
tec
execute0_lowered:
.L_overlay_start_1:
0x0: {  	(tag) =	ssettag $0x1  }
0x1: {  	s0 =	rddreg [dreg:$0x0];
	s1 =	srdreg.scid  }
0x2: {  	s2 =	rddreg [dreg:$0x1];
	s3 =	stileid.u32;
	s9 =	simm.s32 $0x2  }
0x3: {  	s22 =	simm.s32 $0x1;
	s29 =	simm.s32 $0x1000;
	s30 =	simm.s32 $0x1800  }
0x4: {  	s31 =	simm.s32 $0x2000;
	s10 =	simm.s32 $0x4000;
	s11 =	simm.s32 $0x4800  }
0x5: {  	s12 =	simm.s32 $0x5000;
	s13 =	simm.s32 $0x5800;
	s14 =	simm.s32 $0x6000  }
0x6: {  	s15 =	simm.s32 $0x6800;
	s16 =	simm.s32 $0x7000;
	s17 =	simm.s32 $0x7800  }
0x7: {  	s18 =	simm.s32 $0x8000;
	s19 =	simm.s32 $0x8800;
	s20 =	simm.s32 $0x9000  }
0x8: {  	s21 =	simm.s32 $0x9800;
	s28 =	simm.s32 $0xB800;
	s1 =	sand.u32 $0x1, s1  }
0x9: {  	s4 =	sshll.u32 s3, $0x7;
	s3 =	simm.s32 $0x0;
	s5 =	sshll.u32 s1, $0x6  }
0xa: {  	s7 =	sadd.s32 $0x1300, s2;
	[smem:$0x7FF] =	sst s3;
	s4 =	sor.u32 s5, s4  }
0xb: {  	s1 =	ssub.s32 $0x2, s1;
	s5 =	sshrl.u32 s4, $0x3;
	s4 =	sshll.u32 s4, $0x7  }
0xc: {  	_ =	strace $0x80000047;
	s5 =	sadd.s32 s5, s2;
	s0 =	sadd.s32 s0, s4  }
0xd: {  	s6 =	sshrl.u32 s1, $0x1;
	[dreg:$0x4] =	wrdreg s0;
	s23 =	sadd.s32 $0xE00, s5  }
0xe: {  	s1 =	ssub.s32 s1, s6;
	s24 =	sadd.s32 $0xC00, s5;
	[dreg:$0x5] =	wrdreg s23  }
0xf: {  	s6 =	sadd.s32 $0x1200, s2;
	s25 =	sadd.s32 $0xA00, s5;
	[dreg:$0x6] =	wrdreg s24  }
0x10: {  	v2 =	vlaneseq.u32;
	s4 =	sadd.s32 $0x1000, s2;
	s26 =	sadd.s32 $0x800, s5;
	[dreg:$0x7] =	wrdreg s25  }
0x11: {  	vm0 =	vmmov $0xffff;
	v1 =	vshrl.u32 v2, $0x3;
	s8 =	smax.u32 s1, $0x1;
	s5 =	sadd.s32 $0x1100, s2;
	[dreg:$0x8] =	wrdreg s26  }
0x12: {  	v0 =	vand.u32 $0x7, v2;
	v2 =	vor.u32 $0x8, v2;
	v1 =	vmul.u32 $0x8, v1;
	s24 =	simm.s32 $0xA000;
	s25 =	simm.s32 $0xA800;
	s26 =	simm.s32 $0xB000  }
.LBB2_1:
0x13: {  	s23 =	rddreg [dreg:$0x4]  }
0x14: {  	[tilespmem:s3], [sflag:$0x2] =	stream.linear.gather [hbm4b:s23+s3], $0x10000, $0x38;
	[tilespmem:$0x10200] =	vst v63  }
0x15: {  	_ =	swait.ge [sflag:s9], $0x10000  }
0x16: {  	[sflag:s9] =	ssyncset.done $0x0  }
0x17: {  	s0 =	simm.s32 $0x10000;
	s2 =	rddreg [dreg:$0x5];
	[sflag:s9] =	ssyncadd.s32 $0xFFFF0000  }
0x18: {  	[tilespmem:s0], [sflag:$0x2] =	stream.linear.gather [hbm4b:s2+s3], $0x40, $0x38;
	[tilespmem:$0x10200] =	vst v63  }
0x19: {  	_ =	swait.ge [sflag:s9], $0x40  }
0x1a: {  	[sflag:s9] =	ssyncset.done $0x0  }
0x1b: {  	s2 =	simm.s32 $0x10080;
	s1 =	rddreg [dreg:$0x6];
	[sflag:s9] =	ssyncadd.s32 $0xFFFFFFC0  }
0x1c: {  	[tilespmem:s2], [sflag:$0x2] =	stream.linear.gather [hbm4b:s1+s3], $0x40, $0x38;
	[tilespmem:$0x10200] =	vst v63  }
0x1d: {  	_ =	swait.ge [sflag:s9], $0x40  }
0x1e: {  	[sflag:s9] =	ssyncset.done $0x0  }
0x1f: {  	s2 =	simm.s32 $0x10100;
	s1 =	rddreg [dreg:$0x7];
	[sflag:s9] =	ssyncadd.s32 $0xFFFFFFC0  }
0x20: {  	[tilespmem:s2], [sflag:$0x2] =	stream.linear.gather [hbm4b:s1+s3], $0x40, $0x38;
	[tilespmem:$0x10200] =	vst v63  }
0x21: {  	_ =	swait.ge [sflag:s9], $0x40  }
0x22: {  	[sflag:s9] =	ssyncset.done $0x0  }
0x23: {  	s1 =	simm.s32 $0x10180;
	s0 =	rddreg [dreg:$0x8];
	[sflag:s9] =	ssyncadd.s32 $0xFFFFFFC0  }
0x24: {  	[tilespmem:s1], [sflag:$0x2] =	stream.linear.gather [hbm4b:s0+s3], $0x40, $0x38;
	[tilespmem:$0x10200] =	vst v63  }
0x25: {  	_ =	swait.ge [sflag:s9], $0x40  }
0x26: {  	[sflag:s9] =	ssyncset.done $0x0  }
0x27: {  	[sflag:s9] =	ssyncadd.s32 $0xFFFFFFC0  }
0x28: {  	v3 =	vld [tilespmem:$0x10000];
	_ =	sdelay $0x4  }
0x29: {  	v4 =	vshll.u32 v3, $0x3  }
0x2a: {  	v3 =	vand.u32 $0x7, v3;
	v4 =	vand.u32 $0xFFFFFFC0, v4  }
0x2b: {  	v3 =	vor.u32 v3, v4  }
0x2c: {  	v4 =	vperm.xlane v3, v0;
	_ =	sdelay $0x1  }
0x2d: {  	v4 =	vadd.s32 v1, v4;
	_ =	sdelay $0x4  }
0x2e: {  	[hbm4b:s4+s3] =	stream.indirect_vreg.scatter [tilespmem:s3], [sflag:$0x1], $0x80, v4, vm0, $0xb8;
	[tilespmem:$0x10200] =	vst v63  }
0x2f: {  	s23 =	simm.s32 $0x800;
	v3 =	vperm.xlane v3, v2  }
0x30: {  	[hbm4b:s5+s3] =	stream.indirect_vreg.scatter [tilespmem:s23], [sflag:$0x1], $0x80, v4, vm0, $0xb8;
	[tilespmem:$0x10200] =	vst v63  }
0x31: {  	v3 =	vadd.s32 v1, v3  }
0x32: {  	[hbm4b:s6+s3] =	stream.indirect_vreg.scatter [tilespmem:s29], [sflag:$0x1], $0x80, v4, vm0, $0xb8;
	[tilespmem:$0x10200] =	vst v63  }
0x33: {  	_ = 	snop  }
0x34: {  	[hbm4b:s7+s3] =	stream.indirect_vreg.scatter [tilespmem:s30], [sflag:$0x1], $0x80, v4, vm0, $0xb8;
	[tilespmem:$0x10200] =	vst v63  }
0x35: {  	_ = 	snop  }
0x36: {  	[hbm4b:s4+s3] =	stream.indirect_vreg.scatter [tilespmem:s31], [sflag:$0x1], $0x80, v3, vm0, $0xb8;
	[tilespmem:$0x10200] =	vst v63  }
0x37: {  	s1 =	simm.s32 $0x2800  }
0x38: {  	[hbm4b:s5+s3] =	stream.indirect_vreg.scatter [tilespmem:s1], [sflag:$0x1], $0x80, v3, vm0, $0xb8;
	[tilespmem:$0x10200] =	vst v63  }
0x39: {  	s2 =	simm.s32 $0x3000  }
0x3a: {  	[hbm4b:s6+s3] =	stream.indirect_vreg.scatter [tilespmem:s2], [sflag:$0x1], $0x80, v3, vm0, $0xb8;
	[tilespmem:$0x10200] =	vst v63  }
0x3b: {  	s2 =	simm.s32 $0x3800  }
0x3c: {  	[hbm4b:s7+s3] =	stream.indirect_vreg.scatter [tilespmem:s2], [sflag:$0x1], $0x80, v3, vm0, $0xb8;
	[tilespmem:$0x10200] =	vst v63  }
0x3d: {  	v3 =	vld [tilespmem:$0x10010];
	_ =	sdelay $0x4  }
0x3e: {  	v57 =	vshll.u32 v3, $0x3  }
0x3f: {  	v3 =	vand.u32 $0x7, v3;
	v4 =	vand.u32 $0xFFFFFFC0, v57  }
0x40: {  	v3 =	vor.u32 v3, v4  }
0x41: {  	v4 =	vperm.xlane v3, v0;
	_ =	sdelay $0x1  }
0x42: {  	v4 =	vadd.s32 v1, v4;
	_ =	sdelay $0x4  }
0x43: {  	[hbm4b:s4+s3] =	stream.indirect_vreg.scatter [tilespmem:s10], [sflag:$0x1], $0x80, v4, vm0, $0xb8;
	[tilespmem:$0x10200] =	vst v63  }
0x44: {  	v3 =	vperm.xlane v3, v2  }
0x45: {  	[hbm4b:s5+s3] =	stream.indirect_vreg.scatter [tilespmem:s11], [sflag:$0x1], $0x80, v4, vm0, $0xb8;
	[tilespmem:$0x10200] =	vst v63  }
0x46: {  	v3 =	vadd.s32 v1, v3  }
0x47: {  	[hbm4b:s6+s3] =	stream.indirect_vreg.scatter [tilespmem:s12], [sflag:$0x1], $0x80, v4, vm0, $0xb8;
	[tilespmem:$0x10200] =	vst v63  }
0x48: {  	_ = 	snop  }
0x49: {  	[hbm4b:s7+s3] =	stream.indirect_vreg.scatter [tilespmem:s13], [sflag:$0x1], $0x80, v4, vm0, $0xb8;
	[tilespmem:$0x10200] =	vst v63  }
0x4a: {  	_ = 	snop  }
0x4b: {  	[hbm4b:s4+s3] =	stream.indirect_vreg.scatter [tilespmem:s14], [sflag:$0x1], $0x80, v3, vm0, $0xb8;
	[tilespmem:$0x10200] =	vst v63  }
0x4c: {  	_ = 	snop  }
0x4d: {  	[hbm4b:s5+s3] =	stream.indirect_vreg.scatter [tilespmem:s15], [sflag:$0x1], $0x80, v3, vm0, $0xb8;
	[tilespmem:$0x10200] =	vst v63  }
0x4e: {  	_ = 	snop  }
0x4f: {  	[hbm4b:s6+s3] =	stream.indirect_vreg.scatter [tilespmem:s16], [sflag:$0x1], $0x80, v3, vm0, $0xb8;
	[tilespmem:$0x10200] =	vst v63  }
0x50: {  	_ = 	snop  }
0x51: {  	[hbm4b:s7+s3] =	stream.indirect_vreg.scatter [tilespmem:s17], [sflag:$0x1], $0x80, v3, vm0, $0xb8;
	[tilespmem:$0x10200] =	vst v63  }
0x52: {  	v3 =	vld [tilespmem:$0x10020];
	_ =	sdelay $0x4  }
0x53: {  	v58 =	vshll.u32 v3, $0x3  }
0x54: {  	v3 =	vand.u32 $0x7, v3;
	v4 =	vand.u32 $0xFFFFFFC0, v58  }
0x55: {  	v3 =	vor.u32 v3, v4  }
0x56: {  	v4 =	vperm.xlane v3, v0;
	_ =	sdelay $0x1  }
0x57: {  	v4 =	vadd.s32 v1, v4;
	_ =	sdelay $0x4  }
0x58: {  	[hbm4b:s4+s3] =	stream.indirect_vreg.scatter [tilespmem:s18], [sflag:$0x1], $0x80, v4, vm0, $0xb8;
	[tilespmem:$0x10200] =	vst v63  }
0x59: {  	v3 =	vperm.xlane v3, v2  }
0x5a: {  	[hbm4b:s5+s3] =	stream.indirect_vreg.scatter [tilespmem:s19], [sflag:$0x1], $0x80, v4, vm0, $0xb8;
	[tilespmem:$0x10200] =	vst v63  }
0x5b: {  	v3 =	vadd.s32 v1, v3  }
0x5c: {  	[hbm4b:s6+s3] =	stream.indirect_vreg.scatter [tilespmem:s20], [sflag:$0x1], $0x80, v4, vm0, $0xb8;
	[tilespmem:$0x10200] =	vst v63  }
0x5d: {  	_ = 	snop  }
0x5e: {  	[hbm4b:s7+s3] =	stream.indirect_vreg.scatter [tilespmem:s21], [sflag:$0x1], $0x80, v4, vm0, $0xb8;
	[tilespmem:$0x10200] =	vst v63  }
0x5f: {  	_ = 	snop  }
0x60: {  	[hbm4b:s4+s3] =	stream.indirect_vreg.scatter [tilespmem:s24], [sflag:$0x1], $0x80, v3, vm0, $0xb8;
	[tilespmem:$0x10200] =	vst v63  }
0x61: {  	_ = 	snop  }
0x62: {  	[hbm4b:s5+s3] =	stream.indirect_vreg.scatter [tilespmem:s25], [sflag:$0x1], $0x80, v3, vm0, $0xb8;
	[tilespmem:$0x10200] =	vst v63  }
0x63: {  	_ = 	snop  }
0x64: {  	[hbm4b:s6+s3] =	stream.indirect_vreg.scatter [tilespmem:s26], [sflag:$0x1], $0x80, v3, vm0, $0xb8;
	[tilespmem:$0x10200] =	vst v63  }
0x65: {  	_ = 	snop  }
0x66: {  	[hbm4b:s7+s3] =	stream.indirect_vreg.scatter [tilespmem:s28], [sflag:$0x1], $0x80, v3, vm0, $0xb8;
	[tilespmem:$0x10200] =	vst v63  }
0x67: {  	v3 =	vld [tilespmem:$0x10030];
	_ =	sdelay $0x4  }
0x68: {  	v59 =	vshll.u32 v3, $0x3  }
0x69: {  	v3 =	vand.u32 $0x7, v3;
	v4 =	vand.u32 $0xFFFFFFC0, v59  }
0x6a: {  	v3 =	vor.u32 v3, v4  }
0x6b: {  	v4 =	vperm.xlane v3, v0;
	_ =	sdelay $0x1  }
0x6c: {  	v4 =	vadd.s32 v1, v4;
	_ =	sdelay $0x3  }
0x6d: {  	s0 =	simm.s32 $0xC000  }
0x6e: {  	[hbm4b:s4+s3] =	stream.indirect_vreg.scatter [tilespmem:s0], [sflag:$0x1], $0x80, v4, vm0, $0xb8;
	[tilespmem:$0x10200] =	vst v63  }
0x6f: {  	v3 =	vperm.xlane v3, v2;
	s0 =	simm.s32 $0xC800  }
0x70: {  	[hbm4b:s5+s3] =	stream.indirect_vreg.scatter [tilespmem:s0], [sflag:$0x1], $0x80, v4, vm0, $0xb8;
	[tilespmem:$0x10200] =	vst v63  }
0x71: {  	v3 =	vadd.s32 v1, v3;
	s0 =	simm.s32 $0xD000  }
0x72: {  	[hbm4b:s6+s3] =	stream.indirect_vreg.scatter [tilespmem:s0], [sflag:$0x1], $0x80, v4, vm0, $0xb8;
	[tilespmem:$0x10200] =	vst v63  }
0x73: {  	s0 =	simm.s32 $0xD800  }
0x74: {  	[hbm4b:s7+s3] =	stream.indirect_vreg.scatter [tilespmem:s0], [sflag:$0x1], $0x80, v4, vm0, $0xb8;
	[tilespmem:$0x10200] =	vst v63  }
0x75: {  	s0 =	simm.s32 $0xE000  }
0x76: {  	[hbm4b:s4+s3] =	stream.indirect_vreg.scatter [tilespmem:s0], [sflag:$0x1], $0x80, v3, vm0, $0xb8;
	[tilespmem:$0x10200] =	vst v63  }
0x77: {  	s0 =	simm.s32 $0xE800  }
0x78: {  	[hbm4b:s5+s3] =	stream.indirect_vreg.scatter [tilespmem:s0], [sflag:$0x1], $0x80, v3, vm0, $0xb8;
	[tilespmem:$0x10200] =	vst v63  }
0x79: {  	s0 =	simm.s32 $0xF000  }
0x7a: {  	[hbm4b:s6+s3] =	stream.indirect_vreg.scatter [tilespmem:s0], [sflag:$0x1], $0x80, v3, vm0, $0xb8;
	[tilespmem:$0x10200] =	vst v63  }
0x7b: {  	s0 =	simm.s32 $0xF800  }
0x7c: {  	[hbm4b:s7+s3] =	stream.indirect_vreg.scatter [tilespmem:s0], [sflag:$0x1], $0x80, v3, vm0, $0xb8;
	[tilespmem:$0x10200] =	vst v63  }
0x7d: {  	v3 =	vld [tilespmem:$0x10080];
	_ =	sdelay $0x4  }
0x7e: {  	v60 =	vshll.u32 v3, $0x3  }
0x7f: {  	v3 =	vand.u32 $0x7, v3;
	v4 =	vand.u32 $0xFFFFFFC0, v60  }
0x80: {  	v3 =	vor.u32 v3, v4  }
0x81: {  	v4 =	vperm.xlane v3, v0;
	_ =	sdelay $0x1  }
0x82: {  	v4 =	vadd.s32 v1, v4;
	_ =	sdelay $0x4  }
0x83: {  	[hbm4b:s4+s3] =	stream.indirect_vreg.scatter [tilespmem:s3], [sflag:$0x1], $0x80, v4, vm0, $0xb8;
	[tilespmem:$0x10200] =	vst v63  }
0x84: {  	v3 =	vperm.xlane v3, v2  }
0x85: {  	[hbm4b:s5+s3] =	stream.indirect_vreg.scatter [tilespmem:s23], [sflag:$0x1], $0x80, v4, vm0, $0xb8;
	[tilespmem:$0x10200] =	vst v63  }
0x86: {  	v3 =	vadd.s32 v1, v3  }
0x87: {  	[hbm4b:s6+s3] =	stream.indirect_vreg.scatter [tilespmem:s29], [sflag:$0x1], $0x80, v4, vm0, $0xb8;
	[tilespmem:$0x10200] =	vst v63  }
0x88: {  	_ = 	snop  }
0x89: {  	[hbm4b:s7+s3] =	stream.indirect_vreg.scatter [tilespmem:s30], [sflag:$0x1], $0x80, v4, vm0, $0xb8;
	[tilespmem:$0x10200] =	vst v63  }
0x8a: {  	_ = 	snop  }
0x8b: {  	[hbm4b:s4+s3] =	stream.indirect_vreg.scatter [tilespmem:s31], [sflag:$0x1], $0x80, v3, vm0, $0xb8;
	[tilespmem:$0x10200] =	vst v63  }
0x8c: {  	_ = 	snop  }
0x8d: {  	[hbm4b:s5+s3] =	stream.indirect_vreg.scatter [tilespmem:s1], [sflag:$0x1], $0x80, v3, vm0, $0xb8;
	[tilespmem:$0x10200] =	vst v63  }
0x8e: {  	s23 =	simm.s32 $0x3000  }
0x8f: {  	[hbm4b:s6+s3] =	stream.indirect_vreg.scatter [tilespmem:s23], [sflag:$0x1], $0x80, v3, vm0, $0xb8;
	[tilespmem:$0x10200] =	vst v63  }
0x90: {  	_ = 	snop  }
0x91: {  	[hbm4b:s7+s3] =	stream.indirect_vreg.scatter [tilespmem:s2], [sflag:$0x1], $0x80, v3, vm0, $0xb8;
	[tilespmem:$0x10200] =	vst v63  }
0x92: {  	v3 =	vld [tilespmem:$0x10090];
	_ =	sdelay $0x4  }
0x93: {  	v61 =	vshll.u32 v3, $0x3  }
0x94: {  	v3 =	vand.u32 $0x7, v3;
	v4 =	vand.u32 $0xFFFFFFC0, v61  }
0x95: {  	v3 =	vor.u32 v3, v4  }
0x96: {  	v4 =	vperm.xlane v3, v0;
	_ =	sdelay $0x1  }
0x97: {  	v4 =	vadd.s32 v1, v4;
	_ =	sdelay $0x4  }
0x98: {  	[hbm4b:s4+s3] =	stream.indirect_vreg.scatter [tilespmem:s10], [sflag:$0x1], $0x80, v4, vm0, $0xb8;
	[tilespmem:$0x10200] =	vst v63  }
0x99: {  	v3 =	vperm.xlane v3, v2  }
0x9a: {  	[hbm4b:s5+s3] =	stream.indirect_vreg.scatter [tilespmem:s11], [sflag:$0x1], $0x80, v4, vm0, $0xb8;
	[tilespmem:$0x10200] =	vst v63  }
0x9b: {  	v3 =	vadd.s32 v1, v3  }
0x9c: {  	[hbm4b:s6+s3] =	stream.indirect_vreg.scatter [tilespmem:s12], [sflag:$0x1], $0x80, v4, vm0, $0xb8;
	[tilespmem:$0x10200] =	vst v63  }
0x9d: {  	_ = 	snop  }
0x9e: {  	[hbm4b:s7+s3] =	stream.indirect_vreg.scatter [tilespmem:s13], [sflag:$0x1], $0x80, v4, vm0, $0xb8;
	[tilespmem:$0x10200] =	vst v63  }
0x9f: {  	_ = 	snop  }
0xa0: {  	[hbm4b:s4+s3] =	stream.indirect_vreg.scatter [tilespmem:s14], [sflag:$0x1], $0x80, v3, vm0, $0xb8;
	[tilespmem:$0x10200] =	vst v63  }
0xa1: {  	_ = 	snop  }
0xa2: {  	[hbm4b:s5+s3] =	stream.indirect_vreg.scatter [tilespmem:s15], [sflag:$0x1], $0x80, v3, vm0, $0xb8;
	[tilespmem:$0x10200] =	vst v63  }
0xa3: {  	_ = 	snop  }
0xa4: {  	[hbm4b:s6+s3] =	stream.indirect_vreg.scatter [tilespmem:s16], [sflag:$0x1], $0x80, v3, vm0, $0xb8;
	[tilespmem:$0x10200] =	vst v63  }
0xa5: {  	_ = 	snop  }
0xa6: {  	[hbm4b:s7+s3] =	stream.indirect_vreg.scatter [tilespmem:s17], [sflag:$0x1], $0x80, v3, vm0, $0xb8;
	[tilespmem:$0x10200] =	vst v63  }
0xa7: {  	v3 =	vld [tilespmem:$0x100A0];
	_ =	sdelay $0x4  }
0xa8: {  	v62 =	vshll.u32 v3, $0x3  }
0xa9: {  	v3 =	vand.u32 $0x7, v3;
	v4 =	vand.u32 $0xFFFFFFC0, v62  }
0xaa: {  	v3 =	vor.u32 v3, v4  }
0xab: {  	v4 =	vperm.xlane v3, v0;
	_ =	sdelay $0x1  }
0xac: {  	v4 =	vadd.s32 v1, v4;
	_ =	sdelay $0x4  }
0xad: {  	[hbm4b:s4+s3] =	stream.indirect_vreg.scatter [tilespmem:s18], [sflag:$0x1], $0x80, v4, vm0, $0xb8;
	[tilespmem:$0x10200] =	vst v63  }
0xae: {  	v3 =	vperm.xlane v3, v2  }
0xaf: {  	[hbm4b:s5+s3] =	stream.indirect_vreg.scatter [tilespmem:s19], [sflag:$0x1], $0x80, v4, vm0, $0xb8;
	[tilespmem:$0x10200] =	vst v63  }
0xb0: {  	v3 =	vadd.s32 v1, v3  }
0xb1: {  	[hbm4b:s6+s3] =	stream.indirect_vreg.scatter [tilespmem:s20], [sflag:$0x1], $0x80, v4, vm0, $0xb8;
	[tilespmem:$0x10200] =	vst v63  }
0xb2: {  	_ = 	snop  }
0xb3: {  	[hbm4b:s7+s3] =	stream.indirect_vreg.scatter [tilespmem:s21], [sflag:$0x1], $0x80, v4, vm0, $0xb8;
	[tilespmem:$0x10200] =	vst v63  }
0xb4: {  	_ = 	snop  }
0xb5: {  	[hbm4b:s4+s3] =	stream.indirect_vreg.scatter [tilespmem:s24], [sflag:$0x1], $0x80, v3, vm0, $0xb8;
	[tilespmem:$0x10200] =	vst v63  }
0xb6: {  	_ = 	snop  }
0xb7: {  	[hbm4b:s5+s3] =	stream.indirect_vreg.scatter [tilespmem:s25], [sflag:$0x1], $0x80, v3, vm0, $0xb8;
	[tilespmem:$0x10200] =	vst v63  }
0xb8: {  	_ = 	snop  }
0xb9: {  	[hbm4b:s6+s3] =	stream.indirect_vreg.scatter [tilespmem:s26], [sflag:$0x1], $0x80, v3, vm0, $0xb8;
	[tilespmem:$0x10200] =	vst v63  }
0xba: {  	_ = 	snop  }
0xbb: {  	[hbm4b:s7+s3] =	stream.indirect_vreg.scatter [tilespmem:s28], [sflag:$0x1], $0x80, v3, vm0, $0xb8;
	[tilespmem:$0x10200] =	vst v63  }
0xbc: {  	v3 =	vld [tilespmem:$0x100B0];
	_ =	sdelay $0x4  }
0xbd: {  	v63 =	vshll.u32 v3, $0x3  }
0xbe: {  	v3 =	vand.u32 $0x7, v3;
	v4 =	vand.u32 $0xFFFFFFC0, v63  }
0xbf: {  	v3 =	vor.u32 v3, v4  }
0xc0: {  	v4 =	vperm.xlane v3, v0;
	_ =	sdelay $0x1  }
0xc1: {  	v4 =	vadd.s32 v1, v4;
	_ =	sdelay $0x3  }
0xc2: {  	s23 =	simm.s32 $0xC000  }
0xc3: {  	[hbm4b:s4+s3] =	stream.indirect_vreg.scatter [tilespmem:s23], [sflag:$0x1], $0x80, v4, vm0, $0xb8;
	[tilespmem:$0x10200] =	vst v63  }
0xc4: {  	s2 =	simm.s32 $0xC800;
	v3 =	vperm.xlane v3, v2  }
0xc5: {  	[hbm4b:s5+s3] =	stream.indirect_vreg.scatter [tilespmem:s2], [sflag:$0x1], $0x80, v4, vm0, $0xb8;
	[tilespmem:$0x10200] =	vst v63  }
0xc6: {  	v3 =	vadd.s32 v1, v3;
	s23 =	simm.s32 $0xD000  }
0xc7: {  	[hbm4b:s6+s3] =	stream.indirect_vreg.scatter [tilespmem:s23], [sflag:$0x1], $0x80, v4, vm0, $0xb8;
	[tilespmem:$0x10200] =	vst v63  }
0xc8: {  	s2 =	simm.s32 $0xD800  }
0xc9: {  	[hbm4b:s7+s3] =	stream.indirect_vreg.scatter [tilespmem:s2], [sflag:$0x1], $0x80, v4, vm0, $0xb8;
	[tilespmem:$0x10200] =	vst v63  }
0xca: {  	s23 =	simm.s32 $0xE000  }
0xcb: {  	[hbm4b:s4+s3] =	stream.indirect_vreg.scatter [tilespmem:s23], [sflag:$0x1], $0x80, v3, vm0, $0xb8;
	[tilespmem:$0x10200] =	vst v63  }
0xcc: {  	s2 =	simm.s32 $0xE800  }
0xcd: {  	[hbm4b:s5+s3] =	stream.indirect_vreg.scatter [tilespmem:s2], [sflag:$0x1], $0x80, v3, vm0, $0xb8;
	[tilespmem:$0x10200] =	vst v63  }
0xce: {  	s23 =	simm.s32 $0xF000  }
0xcf: {  	[hbm4b:s6+s3] =	stream.indirect_vreg.scatter [tilespmem:s23], [sflag:$0x1], $0x80, v3, vm0, $0xb8;
	[tilespmem:$0x10200] =	vst v63  }
0xd0: {  	s1 =	simm.s32 $0x10000  }
0xd1: {  	[hbm4b:s7+s3] =	stream.indirect_vreg.scatter [tilespmem:s0], [sflag:$0x1], $0x80, v3, vm0, $0xb8;
	[tilespmem:$0x10200] =	vst v63  }
0xd2: {  	s2 =	simm.s32 $0x10100;
	s23 =	rddreg [dreg:$0x2];
	s0 =	simm.s32 $0x40  }
0xd3: {  	[hbm4b:s23+s0] =	stream.indirect.scatter [tilespmem:s2], [sflag:$0x1], $0x1, s1, s0, $0xb8;
	[tilespmem:$0x10200] =	vst v63  }
0xd4: {  	s1 =	simm.s32 $0x10080;
	s2 =	simm.s32 $0x10180  }
0xd5: {  	[hbm4b:s23+s0] =	stream.indirect.scatter [tilespmem:s2], [sflag:$0x1], $0x1, s1, s0, $0xb8;
	[tilespmem:$0x10200] =	vst v63  }
0xd6: {  	_ =	swait.ge [sflag:s22], $0x10000  }
0xd7: {  	[sflag:s22] =	ssyncset.done $0x0  }
0xd8: {  	[sflag:s22] =	ssyncadd.s32 $0xFFFF0000  }
0xd9: {  	_ =	swait.ge [sflag:s22], $0x10000  }
0xda: {  	[sflag:s22] =	ssyncset.done $0x0  }
0xdb: {  	[sflag:s22] =	ssyncadd.s32 $0xFFFF0000  }
0xdc: {  	p0 =	sne.s32 s8, $0x1;
	_ =	swait.ge [sflag:s22], $0x40  }
.Ltmp0:
0xdd: {  	[sflag:s22] =	ssyncset.done $0x0;
	(pc) =	sbr.rel @p0 .LBB2_1-.Ltmp0, $4  }
0xde: {  	[sflag:s22] =	ssyncadd.s32 $0xFFFFFFC0  }
0xdf: {  	_ =	swait.ge [sflag:s22], $0x40  }
0xe0: {  	[sflag:s22] =	ssyncset.done $0x0  }
0xe1: {  	s8 =	sadd.s32 $0xFFFFFFFF, s8;
	[sflag:s22] =	ssyncadd.s32 $0xFFFFFFC0  }
0xe2: {  	_ =	sfence.sel $0x180000  }
0xe3: {  	[bflag:$0x0] =	sbarrier.arrive $0xFFFF  }
0xe4: {  	_ =	strace $0x90000047  }
0xe5: {  	s0 =	stileid.u32;
	[bflag:$0x2] =	sbarrier.arrive $0xFFFF  }
0xe6: {  	p0 =	sne.s32 s0, $0x0;
	s0 =	rddreg [dreg:$0x3]  }
0xe7: {  	s0 =	sadd.s32 @!p0 $0x100000, s0  }
0xe8: {  	[sflag:s0] =	ssyncadd.tile.s32 @!p0 $0x1;
	_ =	shalt  }
.Lfunc_end2:
_tile_overlayer_lowered:
.L_overlay_start_2:
0xe9: {  	(tag) =	ssettag $0x2  }
0xea: {  	s0 =	rddreg [dreg:$0x0];
	s2 =	stileid.u32  }
0xeb: {  	s1 =	rddreg [dreg:$0x1];
	p0 =	sne.s32 s2, $0x0  }
0xec: {  	s3 =	rddreg [dreg:$0x2];
	[bflag:$0x3] =	sbarrier.arrive $0xFFFF;
	s2 =	simm.s32 @!p0 $0x1C02  }
0xed: {  	[timem:s3], [sflag:s2] =	dma.local @!p0 [hbm:s0], s1  }
0xee: {  	s0 =	simm.s32 @!p0 $0x2  }
0xef: {  	_ =	swait.ge @!p0 [sflag:s0], s1  }
0xf0: {  	s1 =	ssub.s32 @!p0 $0x0, s1;
	[sflag:s0] =	ssyncset.done @!p0 $0x0  }
0xf1: {  	[sflag:s0] =	ssyncadd.s32 @!p0 s1  }
0xf2: {  	[bflag:$0x3] =	sbarrier.arrive $0xFFFF  }
0xf3: {  	_ =	shalt  }

// kernel: kernel.9.cloned.1.call-start
scs
__scs_entry_jumppad:
0x0: {  	(pc) =	sbr.rel $0x88, $3  }
0x1: {  	(tag) =	ssettag $0x0;
	lr =	simm.s32 $0x1  }
0x2: {  	[smem:$0x3F9B] =	sst lr;
	_ =	strace $0xD0000000  }
0x3: {  	_ = 	snop  }
0x4: {  	_ = 	snop  }
0x5: {  	_ = 	snop  }
0x6: {  	_ = 	snop  }
0x7: {  	_ = 	snop  }
__scs_overlays_trampoline_lowered:
0x8: {  	[smem:$0x3FAA] =	sst s0  }
0x9: {  	[smem:$0x3FAB] =	sst s1  }
0xa: {  	[smem:$0x3FAC] =	sst s2  }
0xb: {  	[smem:$0x3FAD] =	sst s3  }
0xc: {  	[smem:$0x3FAE] =	sst s4  }
0xd: {  	[smem:$0x3FAF] =	sst s5  }
0xe: {  	[smem:$0x3FB0] =	sst s6  }
0xf: {  	[smem:$0x3FB1] =	sst s7  }
0x10: {  	[smem:$0x3FB2] =	sst s8  }
0x11: {  	[smem:$0x3FB3] =	sst s9;
	s0 =	simm.s32 @!p0 $0x0  }
0x12: {  	s1 =	sld [smem:$0x3F99];
	s0 =	simm.s32 @p0 $0x1  }
0x13: {  	[smem:$0x3FB4] =	sst s0;
	s0 =	simm.s32 @!p1 $0x0  }
0x14: {  	s2 =	sld [smem:$0x3F98];
	s0 =	simm.s32 @p1 $0x1  }
0x15: {  	[smem:$0x3FB5] =	sst s0;
	s0 =	simm.s32 @!p2 $0x0  }
0x16: {  	s3 =	sld [smem:$0x3FDB];
	s0 =	simm.s32 @p2 $0x1  }
0x17: {  	s4 =	simm.s32 $0x1BF5;
	[smem:$0x3FB7] =	sst s0  }
0x18: {  	s0 =	sld [smem:$0x3F9A];
	_ =	swait.ge [sflag:s4], $0x0  }
0x19: {  	s7 =	sld [smem:$0x3F9B]  }
0x1a: {  	s8 =	sadd.s32 $0xFFFFE003, lr  }
0x1b: {  	s9 =	sadd.s32 $0xFFFFFEF7, lr;
	s5 =	simm.s32 $0xFFFFFFFF;
	p2 =	slt.u32 s8, $0xFFFFF086  }
0x1c: {  	p1 =	slt.u32 s9, $0xF7A;
	s5 =	simm.s32 @!p2 $0x0  }
0x1d: {  	s5 =	simm.s32 @p1 $0x1;
	p0 =	seq.s32 s7, s2  }
0x1e: {  	s7 =	smul.u32 @!p0 $0xF7A, s2;
	p2 =	seq.s32 @!p0 s5, $0x0  }
0x1f: {  	s9 =	smul.u32 $0xF7A, s1;
	s8 =	simm.s32 @!p0 $0x1BF5;
	p2 =	por !p2, p0  }
0x20: {  	[sflag:s8] =	ssyncset.s32 @!p0 $0xFFFFF086;
	s6 =	sadd.s32 @!p0 s3, s7;
	s7 =	simm.s32 @!p0 $0x108  }
0x21: {  	s3 =	sadd.s32 s3, s9;
	s6 =	sadd.s32 @!p0 $0x88, s6;
	s7 =	simm.s32 @p2 $0x1082  }
0x22: {  	[simem:s7], [sflag:s8] =	dma.local @!p0 [hbm:s6], $0xF7A  }
0x23: {  	s9 =	sor.u32 $0xD0000000, s2;
	s6 =	simm.s32 $0x108;
	_ =	swait.ge @!p0 [sflag:s8], $0x0  }
0x24: {  	s3 =	sadd.s32 $0x88, s3;
	s6 =	simm.s32 @!p1 $0x1082;
	[sflag:s4] =	ssyncset.s32 $0xFFFFF086  }
0x25: {  	[simem:s6], [sflag:s4] =	dma.local [hbm:s3], $0xF7A  }
0x26: {  	[smem:$0x3F9B] =	sst s1;
	(tag) =	ssettag s2;
	_ =	strace s9  }
0x27: {  	s1 =	sld [smem:$0x3FAB]  }
0x28: {  	s2 =	sld [smem:$0x3FAC]  }
0x29: {  	s4 =	sld [smem:$0x3FAE]  }
0x2a: {  	p0 =	seq.s32 s5, $0x0;
	s5 =	sld [smem:$0x3FAF]  }
0x2b: {  	s6 =	sld [smem:$0x3FB0]  }
0x2c: {  	s7 =	sld [smem:$0x3FB1]  }
0x2d: {  	s3 =	simm.s32 $0x108;
	s8 =	sld [smem:$0x3FB2]  }
0x2e: {  	s3 =	simm.s32 @!p0 $0x1082;
	s9 =	sld [smem:$0x3FB3]  }
0x2f: {  	lr =	sadd.s32 s0, s3;
	s0 =	sld [smem:$0x3FAA]  }
0x30: {  	s3 =	sld [smem:$0x3FAD]  }
0x31: {  	[smem:$0x3FB6] =	sst s10  }
0x32: {  	s10 =	sld [smem:$0x3FB4];
	_ =	sdelay $0x3  }
0x33: {  	p0 =	seq.s32 s10, $0x1;
	s10 =	sld [smem:$0x3FB6];
	_ =	sdelay $0x3  }
0x34: {  	[smem:$0x3FB6] =	sst s10  }
0x35: {  	s10 =	sld [smem:$0x3FB5];
	_ =	sdelay $0x3  }
0x36: {  	p1 =	seq.s32 s10, $0x1;
	s10 =	sld [smem:$0x3FB6];
	_ =	sdelay $0x3  }
0x37: {  	[smem:$0x3FB6] =	sst s10  }
0x38: {  	s10 =	sld [smem:$0x3FB7]  }
0x39: {  	_ = 	snop;
	(pc) =	sbr.ind lr, $3  }
0x3a: {  	_ = 	snop  }
0x3b: {  	_ = 	snop  }
0x3c: {  	p2 =	seq.s32 s10, $0x1;
	s10 =	sld [smem:$0x3FB6]  }
0x3d: {  	_ =	shalt  }
0x3e: {  	_ =	shalt  }
0x3f: {  	_ =	shalt  }
0x40: {  	_ =	shalt  }
0x41: {  	_ =	shalt  }
0x42: {  	_ =	shalt  }
0x43: {  	_ =	shalt  }
0x44: {  	_ =	shalt  }
0x45: {  	_ =	shalt  }
0x46: {  	_ =	shalt  }
0x47: {  	_ =	shalt  }
0x48: {  	_ =	shalt  }
0x49: {  	_ =	shalt  }
0x4a: {  	_ =	shalt  }
0x4b: {  	_ =	shalt  }
0x4c: {  	_ =	shalt  }
0x4d: {  	_ =	shalt  }
0x4e: {  	_ =	shalt  }
0x4f: {  	_ =	shalt  }
0x50: {  	_ =	shalt  }
0x51: {  	_ =	shalt  }
0x52: {  	_ =	shalt  }
0x53: {  	_ =	shalt  }
0x54: {  	_ =	shalt  }
0x55: {  	_ =	shalt  }
0x56: {  	_ =	shalt  }
0x57: {  	_ =	shalt  }
0x58: {  	_ =	shalt  }
0x59: {  	_ =	shalt  }
0x5a: {  	_ =	shalt  }
0x5b: {  	_ =	shalt  }
0x5c: {  	_ =	shalt  }
0x5d: {  	_ =	shalt  }
0x5e: {  	_ =	shalt  }
0x5f: {  	_ =	shalt  }
0x60: {  	_ =	shalt  }
0x61: {  	_ =	shalt  }
0x62: {  	_ =	shalt  }
0x63: {  	_ =	shalt  }
0x64: {  	_ =	shalt  }
0x65: {  	_ =	shalt  }
0x66: {  	_ =	shalt  }
0x67: {  	_ =	shalt  }
0x68: {  	_ =	shalt  }
0x69: {  	_ =	shalt  }
0x6a: {  	_ =	shalt  }
0x6b: {  	_ =	shalt  }
0x6c: {  	_ =	shalt  }
0x6d: {  	_ =	shalt  }
0x6e: {  	_ =	shalt  }
0x6f: {  	_ =	shalt  }
0x70: {  	_ =	shalt  }
0x71: {  	_ =	shalt  }
0x72: {  	_ =	shalt  }
0x73: {  	_ =	shalt  }
0x74: {  	_ =	shalt  }
0x75: {  	_ =	shalt  }
0x76: {  	_ =	shalt  }
0x77: {  	_ =	shalt  }
0x78: {  	_ =	shalt  }
0x79: {  	_ =	shalt  }
0x7a: {  	_ =	shalt  }
0x7b: {  	_ =	shalt  }
0x7c: {  	_ =	shalt  }
0x7d: {  	_ =	shalt  }
0x7e: {  	_ =	shalt  }
0x7f: {  	_ =	shalt  }
0x80: {  	_ =	shalt  }
0x81: {  	_ =	shalt  }
0x82: {  	_ =	shalt  }
0x83: {  	_ =	shalt  }
0x84: {  	_ =	shalt  }
0x85: {  	_ =	shalt  }
0x86: {  	_ =	shalt  }
0x87: {  	_ =	shalt  }
.Lfunc_end0:
.L_simem_size_0:
called_computation.1_lowered:
.L_overlay_start_0:
0x88: {  	s2 =	sld [smem:$0x3FD9]  }
0x89: {  	s3 =	sld [smem:$0x3FFE];
	_ =	sdelay $0x1  }
0x8a: {  	s1 =	srdreg.scid  }
0x8b: {  	s0 =	sand.u32 $0x1, s1  }
0x8c: {  	s17 =	sshll.u32 s0, $0xA;
	s2 =	sadd.s32 s3, s2  }
0x8d: {  	s2 =	sadd.s32 s2, s17  }
0x8e: {  	[smem:$0x3FC2] =	sst s2  }
0x8f: {  	_ = 	snop  }
0x90: {  	s2 =	sld [smem:$0x3FD0];
	(tm) =	ssettm $0x1  }
0x91: {  	s18 =	sld [smem:$0x3FFB];
	_ =	sdelay $0x3  }
0x92: {  	_ =	strace s18  }
0x93: {  	s3 =	sld [smem:$0x3FFC];
	_ =	sdelay $0x3  }
0x94: {  	_ =	strace s3  }
0x95: {  	s3 =	sld [smem:$0x3FFD];
	_ =	sdelay $0x3  }
0x96: {  	_ =	strace s3  }
0x97: {  	_ =	strace $0x8FFFFFFF  }
0x98: {  	s19 =	sld [smem:$0x3FDB];
	_ =	sdelay $0x1  }
0x99: {  	s4 =	simm.s32 $_scs_section_size  }
0x9a: {  	s5 =	simm.s32 $_size__tile_overlayer_lowered;
	s6 =	simm.s32 $_tile_overlayer_lowered  }
0x9b: {  	s22 =	simm.s32 $0x1BFF;
	s21 =	sshll.u32 s6, $0x1;
	s3 =	sadd.s32 s4, s19  }
0x9c: {  	s7 =	simm.s32 $0x0;
	s20 =	sshll.u32 s5, $0x1;
	s5 =	sadd.s32 s21, s3  }
0x9d: {  	[timem:s7], [sflag:s22] =	dma.local [hbm:s5], s20  }
0x9e: {  	_ =	swait.ge [sflag:s22], s20  }
0x9f: {  	s4 =	ssub.s32 $0x0, s20;
	[sflag:s22] =	ssyncset.done $0x0  }
0xa0: {  	[sflag:s22] =	ssyncadd.s32 s4;
	_ =	sdelay $0x1  }
0xa1: {  	s23 =	simm.s32 $0x1B8B  }
0xa2: {  	_ =	swait.ge [sflag:s23], $0x1  }
0xa3: {  	[sflag:s23] =	ssyncset.done $0x0  }
0xa4: {  	s25 =	simm.s32 $0x1B8E;
	s24 =	sld [smem:$0x3FFE];
	[sflag:s23] =	ssyncadd.s32 $0xFFFFFFFF  }
0xa5: {  	s26 =	simm.s32 $execute0_lowered;
	[smem:$0x3FD2] =	sst s25  }
0xa6: {  	s5 =	sshll.u32 s26, $0x1;
	_ =	strace $0x80000049;
	[dreg:$0x1] =	wrdreg $0xFFFFFFFF  }
0xa7: {  	s28 =	simm.s32 $_size_execute0_lowered;
	s3 =	sadd.s32 s3, s5;
	[dreg:$0x0] =	wrdreg $0x0  }
0xa8: {  	s5 =	sshll.u32 s28, $0x1;
	[dreg:$0x2] =	wrdreg s3  }
0xa9: {  	[dreg:$0x3] =	wrdreg s5  }
0xaa: {  	[dreg:$0x4] =	wrdreg $0xC0  }
0xab: {  	_ =	task [dreg:s7], $0x5FFFF  }
0xac: {  	[dreg:$0x1] =	wrdreg $0xFFFFFFFF  }
0xad: {  	[dreg:$0x0] =	wrdreg $0x60  }
0xae: {  	[dreg:$0x2] =	wrdreg s24  }
0xaf: {  	[dreg:$0x3] =	wrdreg s2  }
0xb0: {  	[dreg:$0x4] =	wrdreg $0x9  }
0xb1: {  	_ =	task.clear_ibuf [dreg:s7], $0x5FFFF;
	_ =	strace $0x90000049  }
0xb2: {  	s29 =	simm.s32 $0x9;
	_ =	strace $0x8000004B  }
0xb3: {  	_ =	swait.ge [sflag:s29], $0x1  }
0xb4: {  	[sflag:s29] =	ssyncadd.s32 $0xFFFFFFFF  }
0xb5: {  	_ =	strace $0x9000004B  }
0xb6: {  	_ =	sfence  }
0xb7: {  	s30 =	sld [smem:$0x0];
	_ =	sdelay $0x2  }
0xb8: {  	s31 =	sshll.u32 s1, $0xD;
	s1 =	sshrl.u32 s1, $0x2  }
0xb9: {  	s3 =	sand.u32 $0x4000, s31;
	s1 =	sadd.s32 s1, s30  }
0xba: {  	s0 =	sor.u32 s3, s0;
	s1 =	sshll.u32 s1, $0x11  }
0xbb: {  	s0 =	sor.u32 s1, s0  }
0xbc: {  	s0 =	sadd.s32 $0x8F2B, s0  }
0xbd: {  	[sflag:s0] =	ssyncadd.remote.s32 $0x1  }
0xbe: {  	_ =	sfence.sel $0xFFFF  }
0xbf: {  	[dreg:$0x0] =	wrdreg $0xFFFFFFFF;
	(pc) =	sbr.abs _section_cstart, $3  }
0xc0: {  	[dreg:$0x1] =	wrdreg $0xFFFFFFFF  }
0xc1: {  	_ =	task.clear_ibuf [dreg:s7], $0x2FFFF;
	_ =	strace $0x9FFFFFFF  }
0xc2: {  	(tm) =	ssettm $0x7FFFFFFF  }
0xc3: {  	_ =	shalt  }
tec
execute0_lowered:
.L_overlay_start_1:
0x0: {  	(tag) =	ssettag $0x1  }
0x1: {  	s0 =	rddreg [dreg:$0x0]  }
0x2: {  	s1 =	rddreg [dreg:$0x1]  }
0x3: {  	s2 =	simm.s32 $0x0;
	s3 =	srdreg.scid;
	s5 =	stileid.u32  }
0x4: {  	s14 =	simm.s32 $0x2;
	s16 =	simm.s32 $0x80;
	s15 =	simm.s32 $0xA080  }
0x5: {  	s17 =	simm.s32 $0xB080;
	s18 =	simm.s32 $0xC080;
	s12 =	simm.s32 $0xC880  }
0x6: {  	s19 =	simm.s32 $0xD080;
	s13 =	simm.s32 $0xD880;
	s20 =	simm.s32 $0xE080  }
0x7: {  	s21 =	simm.s32 $0xE880;
	s22 =	simm.s32 $0xF080;
	[smem:$0x7FF] =	sst s2  }
0x8: {  	s4 =	sand.u32 $0x1, s3;
	s3 =	sadd.s32 $0xC1400, s0;
	s5 =	sshll.u32 s5, $0x7  }
0x9: {  	s9 =	sadd.s32 $0xE00, s0;
	s10 =	sadd.s32 $0xC00, s0;
	s8 =	sadd.s32 $0xC1700, s0  }
0xa: {  	_ =	strace $0x8000004A;
	s6 =	sshll.u32 s4, $0x6;
	s4 =	ssub.s32 $0x2, s4  }
0xb: {  	s5 =	sor.u32 s6, s5;
	s23 =	sshrl.u32 s4, $0x1;
	s6 =	sadd.s32 $0xC1500, s0  }
0xc: {  	s7 =	sshrl.u32 s5, $0x3;
	s4 =	ssub.s32 s4, s23;
	s11 =	sor.u32 $0x20, s5  }
0xd: {  	s26 =	sshll.u32 s5, $0x7;
	s23 =	simm.s32 $0xF880;
	s24 =	sadd.s32 s9, s7  }
0xe: {  	s25 =	sadd.s32 s10, s7;
	s7 =	sadd.s32 $0xC1600, s0;
	s28 =	sshrl.u32 s11, $0x3  }
0xf: {  	s0 =	sadd.s32 s1, s26;
	s30 =	sshll.u32 s11, $0x7;
	[dreg:$0x3] =	wrdreg s24  }
0x10: {  	s31 =	smax.u32 s4, $0x1;
	s4 =	simm.s32 $0x8880;
	[dreg:$0x4] =	wrdreg s25  }
0x11: {  	s11 =	simm.s32 $0xB880;
	[dreg:$0x5] =	wrdreg s0;
	s29 =	sadd.s32 s9, s28  }
0x12: {  	s5 =	sadd.s32 s10, s28;
	s0 =	sadd.s32 s1, s30;
	[dreg:$0x9] =	wrdreg s31  }
0x13: {  	v2 =	vlaneseq.u32;
	s1 =	simm.s32 $0x8080;
	s9 =	simm.s32 $0x9880;
	[dreg:$0x6] =	wrdreg s29  }
0x14: {  	vm0 =	vmmov $0xffff;
	v1 =	vshrl.u32 v2, $0x3;
	s10 =	simm.s32 $0xA880;
	s24 =	simm.s32 $0x1;
	[dreg:$0x7] =	wrdreg s5  }
0x15: {  	v0 =	vand.u32 $0x7, v2;
	v2 =	vor.u32 $0x8, v2;
	v1 =	vmul.u32 $0x8, v1;
	s25 =	simm.s32 $0x0;
	[dreg:$0x8] =	wrdreg s0;
	s5 =	simm.s32 $0x9080  }
.LBB2_1:
0x16: {  	s0 =	rddreg [dreg:$0x3]  }
0x17: {  	[tilespmem:s2], [sflag:$0x2] =	stream.linear.gather [hbm4b:s0+s2], $0x20, $0x38;
	[tilespmem:$0x10080] =	vst v63  }
0x18: {  	_ =	swait.ge [sflag:s14], $0x20  }
0x19: {  	[sflag:s14] =	ssyncset.done $0x0  }
0x1a: {  	s26 =	simm.s32 $0x20;
	s30 =	rddreg [dreg:$0x4];
	[sflag:s14] =	ssyncadd.s32 $0xFFFFFFE0  }
0x1b: {  	[tilespmem:s26], [sflag:$0x2] =	stream.linear.gather [hbm4b:s30+s2], $0x20, $0x38;
	[tilespmem:$0x10080] =	vst v63  }
0x1c: {  	_ =	swait.ge [sflag:s14], $0x20  }
0x1d: {  	[sflag:s14] =	ssyncset.done $0x0  }
0x1e: {  	[sflag:s14] =	ssyncadd.s32 $0xFFFFFFE0  }
0x1f: {  	v3 =	vld [tilespmem:$0x0];
	_ =	sdelay $0x4  }
0x20: {  	v4 =	vshll.u32 v3, $0x3  }
0x21: {  	v3 =	vand.u32 $0x7, v3;
	v4 =	vand.u32 $0xFFFFFFC0, v4  }
0x22: {  	v3 =	vor.u32 v3, v4  }
0x23: {  	v4 =	vperm.xlane v3, v0;
	_ =	sdelay $0x1  }
0x24: {  	v4 =	vadd.s32 v1, v4;
	_ =	sdelay $0x4  }
0x25: {  	[tilespmem:s16], [sflag:$0x1] =	stream.indirect_vreg.gather [hbm4b:s3+s2], $0x80, v4, vm0, $0xb8;
	[tilespmem:$0x10080] =	vst v63  }
0x26: {  	s31 =	simm.s32 $0x880;
	v3 =	vperm.xlane v3, v2  }
0x27: {  	[tilespmem:s31], [sflag:$0x1] =	stream.indirect_vreg.gather [hbm4b:s6+s2], $0x80, v4, vm0, $0xb8;
	[tilespmem:$0x10080] =	vst v63  }
0x28: {  	s26 =	simm.s32 $0x1080;
	v3 =	vadd.s32 v1, v3  }
0x29: {  	[tilespmem:s26], [sflag:$0x1] =	stream.indirect_vreg.gather [hbm4b:s7+s2], $0x80, v4, vm0, $0xb8;
	[tilespmem:$0x10080] =	vst v63  }
0x2a: {  	s30 =	simm.s32 $0x1880  }
0x2b: {  	[tilespmem:s30], [sflag:$0x1] =	stream.indirect_vreg.gather [hbm4b:s8+s2], $0x80, v4, vm0, $0xb8;
	[tilespmem:$0x10080] =	vst v63  }
0x2c: {  	s31 =	simm.s32 $0x2080  }
0x2d: {  	[tilespmem:s31], [sflag:$0x1] =	stream.indirect_vreg.gather [hbm4b:s3+s2], $0x80, v3, vm0, $0xb8;
	[tilespmem:$0x10080] =	vst v63  }
0x2e: {  	s26 =	simm.s32 $0x2880  }
0x2f: {  	[tilespmem:s26], [sflag:$0x1] =	stream.indirect_vreg.gather [hbm4b:s6+s2], $0x80, v3, vm0, $0xb8;
	[tilespmem:$0x10080] =	vst v63  }
0x30: {  	s30 =	simm.s32 $0x3080  }
0x31: {  	[tilespmem:s30], [sflag:$0x1] =	stream.indirect_vreg.gather [hbm4b:s7+s2], $0x80, v3, vm0, $0xb8;
	[tilespmem:$0x10080] =	vst v63  }
0x32: {  	s31 =	simm.s32 $0x3880  }
0x33: {  	[tilespmem:s31], [sflag:$0x1] =	stream.indirect_vreg.gather [hbm4b:s8+s2], $0x80, v3, vm0, $0xb8;
	[tilespmem:$0x10080] =	vst v63  }
0x34: {  	v3 =	vld [tilespmem:$0x10];
	_ =	sdelay $0x4  }
0x35: {  	v4 =	vshll.u32 v3, $0x3  }
0x36: {  	v3 =	vand.u32 $0x7, v3;
	v4 =	vand.u32 $0xFFFFFFC0, v4  }
0x37: {  	v3 =	vor.u32 v3, v4  }
0x38: {  	v4 =	vperm.xlane v3, v0;
	_ =	sdelay $0x1  }
0x39: {  	v4 =	vadd.s32 v1, v4;
	_ =	sdelay $0x3  }
0x3a: {  	s26 =	simm.s32 $0x4080  }
0x3b: {  	[tilespmem:s26], [sflag:$0x1] =	stream.indirect_vreg.gather [hbm4b:s3+s2], $0x80, v4, vm0, $0xb8;
	[tilespmem:$0x10080] =	vst v63  }
0x3c: {  	s30 =	simm.s32 $0x4880;
	v3 =	vperm.xlane v3, v2  }
0x3d: {  	[tilespmem:s30], [sflag:$0x1] =	stream.indirect_vreg.gather [hbm4b:s6+s2], $0x80, v4, vm0, $0xb8;
	[tilespmem:$0x10080] =	vst v63  }
0x3e: {  	s31 =	simm.s32 $0x5080;
	v3 =	vadd.s32 v1, v3  }
0x3f: {  	[tilespmem:s31], [sflag:$0x1] =	stream.indirect_vreg.gather [hbm4b:s7+s2], $0x80, v4, vm0, $0xb8;
	[tilespmem:$0x10080] =	vst v63  }
0x40: {  	s26 =	simm.s32 $0x5880  }
0x41: {  	[tilespmem:s26], [sflag:$0x1] =	stream.indirect_vreg.gather [hbm4b:s8+s2], $0x80, v4, vm0, $0xb8;
	[tilespmem:$0x10080] =	vst v63  }
0x42: {  	s30 =	simm.s32 $0x6080  }
0x43: {  	[tilespmem:s30], [sflag:$0x1] =	stream.indirect_vreg.gather [hbm4b:s3+s2], $0x80, v3, vm0, $0xb8;
	[tilespmem:$0x10080] =	vst v63  }
0x44: {  	s31 =	simm.s32 $0x6880  }
0x45: {  	[tilespmem:s31], [sflag:$0x1] =	stream.indirect_vreg.gather [hbm4b:s6+s2], $0x80, v3, vm0, $0xb8;
	[tilespmem:$0x10080] =	vst v63  }
0x46: {  	s26 =	simm.s32 $0x7080  }
0x47: {  	[tilespmem:s26], [sflag:$0x1] =	stream.indirect_vreg.gather [hbm4b:s7+s2], $0x80, v3, vm0, $0xb8;
	[tilespmem:$0x10080] =	vst v63  }
0x48: {  	s30 =	simm.s32 $0x7880  }
0x49: {  	[tilespmem:s30], [sflag:$0x1] =	stream.indirect_vreg.gather [hbm4b:s8+s2], $0x80, v3, vm0, $0xb8;
	[tilespmem:$0x10080] =	vst v63  }
0x4a: {  	v3 =	vld [tilespmem:$0x20];
	_ =	sdelay $0x4  }
0x4b: {  	v4 =	vshll.u32 v3, $0x3  }
0x4c: {  	v3 =	vand.u32 $0x7, v3;
	v4 =	vand.u32 $0xFFFFFFC0, v4  }
0x4d: {  	v3 =	vor.u32 v3, v4  }
0x4e: {  	v4 =	vperm.xlane v3, v0;
	_ =	sdelay $0x1  }
0x4f: {  	v4 =	vadd.s32 v1, v4;
	_ =	sdelay $0x4  }
0x50: {  	[tilespmem:s1], [sflag:$0x1] =	stream.indirect_vreg.gather [hbm4b:s3+s2], $0x80, v4, vm0, $0xb8;
	[tilespmem:$0x10080] =	vst v63  }
0x51: {  	v3 =	vperm.xlane v3, v2  }
0x52: {  	[tilespmem:s4], [sflag:$0x1] =	stream.indirect_vreg.gather [hbm4b:s6+s2], $0x80, v4, vm0, $0xb8;
	[tilespmem:$0x10080] =	vst v63  }
0x53: {  	v3 =	vadd.s32 v1, v3  }
0x54: {  	[tilespmem:s5], [sflag:$0x1] =	stream.indirect_vreg.gather [hbm4b:s7+s2], $0x80, v4, vm0, $0xb8;
	[tilespmem:$0x10080] =	vst v63  }
0x55: {  	_ = 	snop  }
0x56: {  	[tilespmem:s9], [sflag:$0x1] =	stream.indirect_vreg.gather [hbm4b:s8+s2], $0x80, v4, vm0, $0xb8;
	[tilespmem:$0x10080] =	vst v63  }
0x57: {  	_ = 	snop  }
0x58: {  	[tilespmem:s15], [sflag:$0x1] =	stream.indirect_vreg.gather [hbm4b:s3+s2], $0x80, v3, vm0, $0xb8;
	[tilespmem:$0x10080] =	vst v63  }
0x59: {  	_ = 	snop  }
0x5a: {  	[tilespmem:s10], [sflag:$0x1] =	stream.indirect_vreg.gather [hbm4b:s6+s2], $0x80, v3, vm0, $0xb8;
	[tilespmem:$0x10080] =	vst v63  }
0x5b: {  	_ = 	snop  }
0x5c: {  	[tilespmem:s17], [sflag:$0x1] =	stream.indirect_vreg.gather [hbm4b:s7+s2], $0x80, v3, vm0, $0xb8;
	[tilespmem:$0x10080] =	vst v63  }
0x5d: {  	_ = 	snop  }
0x5e: {  	[tilespmem:s11], [sflag:$0x1] =	stream.indirect_vreg.gather [hbm4b:s8+s2], $0x80, v3, vm0, $0xb8;
	[tilespmem:$0x10080] =	vst v63  }
0x5f: {  	v3 =	vld [tilespmem:$0x30];
	_ =	sdelay $0x4  }
0x60: {  	v4 =	vshll.u32 v3, $0x3  }
0x61: {  	v3 =	vand.u32 $0x7, v3;
	v4 =	vand.u32 $0xFFFFFFC0, v4  }
0x62: {  	v3 =	vor.u32 v3, v4  }
0x63: {  	v4 =	vperm.xlane v3, v0;
	_ =	sdelay $0x1  }
0x64: {  	v4 =	vadd.s32 v1, v4;
	_ =	sdelay $0x4  }
0x65: {  	[tilespmem:s18], [sflag:$0x1] =	stream.indirect_vreg.gather [hbm4b:s3+s2], $0x80, v4, vm0, $0xb8;
	[tilespmem:$0x10080] =	vst v63  }
0x66: {  	v3 =	vperm.xlane v3, v2  }
0x67: {  	[tilespmem:s12], [sflag:$0x1] =	stream.indirect_vreg.gather [hbm4b:s6+s2], $0x80, v4, vm0, $0xb8;
	[tilespmem:$0x10080] =	vst v63  }
0x68: {  	v3 =	vadd.s32 v1, v3  }
0x69: {  	[tilespmem:s19], [sflag:$0x1] =	stream.indirect_vreg.gather [hbm4b:s7+s2], $0x80, v4, vm0, $0xb8;
	[tilespmem:$0x10080] =	vst v63  }
0x6a: {  	_ = 	snop  }
0x6b: {  	[tilespmem:s13], [sflag:$0x1] =	stream.indirect_vreg.gather [hbm4b:s8+s2], $0x80, v4, vm0, $0xb8;
	[tilespmem:$0x10080] =	vst v63  }
0x6c: {  	_ = 	snop  }
0x6d: {  	[tilespmem:s20], [sflag:$0x1] =	stream.indirect_vreg.gather [hbm4b:s3+s2], $0x80, v3, vm0, $0xb8;
	[tilespmem:$0x10080] =	vst v63  }
0x6e: {  	_ = 	snop  }
0x6f: {  	[tilespmem:s21], [sflag:$0x1] =	stream.indirect_vreg.gather [hbm4b:s6+s2], $0x80, v3, vm0, $0xb8;
	[tilespmem:$0x10080] =	vst v63  }
0x70: {  	_ = 	snop  }
0x71: {  	[tilespmem:s22], [sflag:$0x1] =	stream.indirect_vreg.gather [hbm4b:s7+s2], $0x80, v3, vm0, $0xb8;
	[tilespmem:$0x10080] =	vst v63  }
0x72: {  	s28 =	simm.s32 $0x0;
	s31 =	simm.s32 $0x0  }
0x73: {  	[tilespmem:s23], [sflag:$0x1] =	stream.indirect_vreg.gather [hbm4b:s8+s2], $0x80, v3, vm0, $0xb8;
	[tilespmem:$0x10080] =	vst v63  }
0x74: {  	s28 =	sand.u32 $0x380, s28;
	s26 =	sand.u32 $0x6000, s31;
	_ =	swait.ge [sflag:s24], $0x10000  }
0x75: {  	s29 =	sand.u32 $0x1C00, s2;
	s26 =	sor.u32 s28, s26;
	[sflag:s24] =	ssyncset.done $0x0  }
0x76: {  	s26 =	sor.u32 s29, s26;
	[sflag:s24] =	ssyncadd.s32 $0xFFFF0000  }
0x77: {  	v3 =	vld [tilespmem:s26+$0xF0]  }
0x78: {  	v5 =	vld [tilespmem:s26+$0x80F0]  }
0x79: {  	v6 =	vld [tilespmem:s26+$0x80]  }
0x7a: {  	v8 =	vld [tilespmem:s26+$0x8080]  }
0x7b: {  	v9 =	vld [tilespmem:s26+$0x90]  }
0x7c: {  	v10 =	vld [tilespmem:s26+$0x8090]  }
0x7d: {  	v4 =	vld [tilespmem:s26+$0xA0]  }
0x7e: {  	v7 =	vld [tilespmem:s26+$0x80A0];
	v5 =	vadd.f32 v5, v3  }
0x7f: {  	v8 =	vadd.f32 v8, v6;
	v3 =	vld [tilespmem:s26+$0xB0]  }
0x80: {  	v6 =	vld [tilespmem:s26+$0x80B0];
	[tilespmem:s26+$0xF0] =	vst v5  }
0x81: {  	s28 =	simm.s32 $0x0;
	s29 =	simm.s32 $0x0;
	[tilespmem:s26+$0x80] =	vst v8;
	v8 =	vadd.f32 v10, v9;
	v5 =	vld [tilespmem:s26+$0xC0]  }
.LBB2_2:
0x82: {  	s28 =	sadd.s32 $0x8, s28;
	v9 =	vld [tilespmem:s26+$0x80C0]  }
0x83: {  	s30 =	sshll.u32 s28, $0x4;
	s31 =	sshll.u32 s28, $0x1;
	p0 =	slt.u32 s28, $0x7F8;
	[tilespmem:s26+$0x90] =	vst v8;
	v4 =	vadd.f32 v7, v4;
	v7 =	vld [tilespmem:s26+$0xD0]  }
0x84: {  	s29 =	sadd.s32 $0x400, s29;
	s30 =	sand.u32 $0x6000, s30;
	s31 =	sand.u32 $0x380, s31;
	v8 =	vld [tilespmem:s26+$0x80D0]  }
0x85: {  	s0 =	sand.u32 $0x1C00, s29;
	s30 =	sor.u32 s31, s30;
	[tilespmem:s26+$0xA0] =	vst v4;
	v3 =	vadd.f32 v6, v3;
	v4 =	vld [tilespmem:s26+$0xE0]  }
0x86: {  	s0 =	sor.u32 s0, s30;
	v6 =	vld [tilespmem:s26+$0x80E0]  }
0x87: {  	v10 =	vld [tilespmem:s0+$0xF0];
	[tilespmem:s26+$0xB0] =	vst v3;
	v3 =	vadd.f32 v9, v5  }
0x88: {  	v5 =	vld [tilespmem:s0+$0x80F0]  }
0x89: {  	v9 =	vld [tilespmem:s0+$0x80];
	[tilespmem:s26+$0xC0] =	vst v3;
	v3 =	vadd.f32 v8, v7  }
0x8a: {  	v8 =	vld [tilespmem:s0+$0x8080]  }
0x8b: {  	v11 =	vld [tilespmem:s0+$0x90];
	[tilespmem:s26+$0xD0] =	vst v3;
	v3 =	vadd.f32 v6, v4  }
0x8c: {  	v12 =	vld [tilespmem:s0+$0x8090]  }
.Ltmp0:
0x8d: {  	v4 =	vld [tilespmem:s0+$0xA0];
	v5 =	vadd.f32 v5, v10;
	[tilespmem:s26+$0xE0] =	vst v3;
	s26 =	smov.u32 s0;
	(pc) =	sbr.rel @p0 .LBB2_2-.Ltmp0, $4  }
0x8e: {  	v7 =	vld [tilespmem:s26+$0x80A0]  }
0x8f: {  	v8 =	vadd.f32 v8, v9;
	v3 =	vld [tilespmem:s26+$0xB0];
	[tilespmem:s26+$0xF0] =	vst v5  }
0x90: {  	v6 =	vld [tilespmem:s26+$0x80B0]  }
0x91: {  	[tilespmem:s26+$0x80] =	vst v8;
	v8 =	vadd.f32 v12, v11;
	v5 =	vld [tilespmem:s26+$0xC0]  }
0x92: {  	v9 =	vld [tilespmem:s26+$0x80C0]  }
0x93: {  	v10 =	vld [tilespmem:s26+$0xD0]  }
0x94: {  	v11 =	vld [tilespmem:s26+$0x80D0]  }
0x95: {  	v12 =	vld [tilespmem:s26+$0xE0]  }
0x96: {  	v13 =	vld [tilespmem:s26+$0x80E0]  }
0x97: {  	v4 =	vadd.f32 v7, v4  }
0x98: {  	[tilespmem:s26+$0x90] =	vst v8;
	v3 =	vadd.f32 v6, v3  }
0x99: {  	[tilespmem:s26+$0xA0] =	vst v4;
	v4 =	vadd.f32 v9, v5  }
0x9a: {  	[tilespmem:s26+$0xB0] =	vst v3;
	v3 =	vadd.f32 v11, v10  }
0x9b: {  	[tilespmem:s26+$0xC0] =	vst v4;
	v4 =	vadd.f32 v13, v12  }
0x9c: {  	[tilespmem:s26+$0xD0] =	vst v3  }
0x9d: {  	[tilespmem:s26+$0xE0] =	vst v4  }
0x9e: {  	s26 =	simm.s32 $0x0;
	s0 =	rddreg [dreg:$0x5]  }
0x9f: {  	[hbm4b:s0+s26] =	stream.linear.scatter [tilespmem:s16], [sflag:$0x2], $0x8000, $0x38;
	[tilespmem:$0x10080] =	vst v63  }
0xa0: {  	_ =	swait.ge [sflag:s14], $0x8000  }
0xa1: {  	[sflag:s14] =	ssyncset.done $0x0  }
0xa2: {  	s30 =	rddreg [dreg:$0x6];
	[sflag:s14] =	ssyncadd.s32 $0xFFFF8000  }
0xa3: {  	[tilespmem:s26], [sflag:$0x2] =	stream.linear.gather [hbm4b:s30+s26], $0x20, $0x38;
	[tilespmem:$0x10080] =	vst v63  }
0xa4: {  	_ =	swait.ge [sflag:s14], $0x20  }
0xa5: {  	[sflag:s14] =	ssyncset.done $0x0  }
0xa6: {  	s28 =	simm.s32 $0x20;
	s31 =	rddreg [dreg:$0x7];
	[sflag:s14] =	ssyncadd.s32 $0xFFFFFFE0  }
0xa7: {  	[tilespmem:s28], [sflag:$0x2] =	stream.linear.gather [hbm4b:s31+s26], $0x20, $0x38;
	[tilespmem:$0x10080] =	vst v63  }
0xa8: {  	_ =	swait.ge [sflag:s14], $0x20  }
0xa9: {  	[sflag:s14] =	ssyncset.done $0x0  }
0xaa: {  	[sflag:s14] =	ssyncadd.s32 $0xFFFFFFE0  }
0xab: {  	v3 =	vld [tilespmem:$0x0];
	_ =	sdelay $0x4  }
0xac: {  	v4 =	vshll.u32 v3, $0x3  }
0xad: {  	v3 =	vand.u32 $0x7, v3;
	v4 =	vand.u32 $0xFFFFFFC0, v4  }
0xae: {  	v3 =	vor.u32 v3, v4  }
0xaf: {  	v4 =	vperm.xlane v3, v0;
	_ =	sdelay $0x1  }
0xb0: {  	v4 =	vadd.s32 v1, v4;
	_ =	sdelay $0x4  }
0xb1: {  	[tilespmem:s16], [sflag:$0x1] =	stream.indirect_vreg.gather [hbm4b:s3+s26], $0x80, v4, vm0, $0xb8;
	[tilespmem:$0x10080] =	vst v63  }
0xb2: {  	s30 =	simm.s32 $0x880;
	v3 =	vperm.xlane v3, v2  }
0xb3: {  	[tilespmem:s30], [sflag:$0x1] =	stream.indirect_vreg.gather [hbm4b:s6+s26], $0x80, v4, vm0, $0xb8;
	[tilespmem:$0x10080] =	vst v63  }
0xb4: {  	s31 =	simm.s32 $0x1080;
	v3 =	vadd.s32 v1, v3  }
0xb5: {  	[tilespmem:s31], [sflag:$0x1] =	stream.indirect_vreg.gather [hbm4b:s7+s26], $0x80, v4, vm0, $0xb8;
	[tilespmem:$0x10080] =	vst v63  }
0xb6: {  	s30 =	simm.s32 $0x1880  }
0xb7: {  	[tilespmem:s30], [sflag:$0x1] =	stream.indirect_vreg.gather [hbm4b:s8+s26], $0x80, v4, vm0, $0xb8;
	[tilespmem:$0x10080] =	vst v63  }
0xb8: {  	s31 =	simm.s32 $0x2080  }
0xb9: {  	[tilespmem:s31], [sflag:$0x1] =	stream.indirect_vreg.gather [hbm4b:s3+s26], $0x80, v3, vm0, $0xb8;
	[tilespmem:$0x10080] =	vst v63  }
0xba: {  	s30 =	simm.s32 $0x2880  }
0xbb: {  	[tilespmem:s30], [sflag:$0x1] =	stream.indirect_vreg.gather [hbm4b:s6+s26], $0x80, v3, vm0, $0xb8;
	[tilespmem:$0x10080] =	vst v63  }
0xbc: {  	s31 =	simm.s32 $0x3080  }
0xbd: {  	[tilespmem:s31], [sflag:$0x1] =	stream.indirect_vreg.gather [hbm4b:s7+s26], $0x80, v3, vm0, $0xb8;
	[tilespmem:$0x10080] =	vst v63  }
0xbe: {  	s30 =	simm.s32 $0x3880  }
0xbf: {  	[tilespmem:s30], [sflag:$0x1] =	stream.indirect_vreg.gather [hbm4b:s8+s26], $0x80, v3, vm0, $0xb8;
	[tilespmem:$0x10080] =	vst v63  }
0xc0: {  	v3 =	vld [tilespmem:$0x10];
	_ =	sdelay $0x4  }
0xc1: {  	v4 =	vshll.u32 v3, $0x3  }
0xc2: {  	v3 =	vand.u32 $0x7, v3;
	v4 =	vand.u32 $0xFFFFFFC0, v4  }
0xc3: {  	v3 =	vor.u32 v3, v4  }
0xc4: {  	v4 =	vperm.xlane v3, v0;
	_ =	sdelay $0x1  }
0xc5: {  	v4 =	vadd.s32 v1, v4;
	_ =	sdelay $0x3  }
0xc6: {  	s31 =	simm.s32 $0x4080  }
0xc7: {  	[tilespmem:s31], [sflag:$0x1] =	stream.indirect_vreg.gather [hbm4b:s3+s26], $0x80, v4, vm0, $0xb8;
	[tilespmem:$0x10080] =	vst v63  }
0xc8: {  	s30 =	simm.s32 $0x4880;
	v3 =	vperm.xlane v3, v2  }
0xc9: {  	[tilespmem:s30], [sflag:$0x1] =	stream.indirect_vreg.gather [hbm4b:s6+s26], $0x80, v4, vm0, $0xb8;
	[tilespmem:$0x10080] =	vst v63  }
0xca: {  	v3 =	vadd.s32 v1, v3;
	s31 =	simm.s32 $0x5080  }
0xcb: {  	[tilespmem:s31], [sflag:$0x1] =	stream.indirect_vreg.gather [hbm4b:s7+s26], $0x80, v4, vm0, $0xb8;
	[tilespmem:$0x10080] =	vst v63  }
0xcc: {  	s30 =	simm.s32 $0x5880  }
0xcd: {  	[tilespmem:s30], [sflag:$0x1] =	stream.indirect_vreg.gather [hbm4b:s8+s26], $0x80, v4, vm0, $0xb8;
	[tilespmem:$0x10080] =	vst v63  }
0xce: {  	s31 =	simm.s32 $0x6080  }
0xcf: {  	[tilespmem:s31], [sflag:$0x1] =	stream.indirect_vreg.gather [hbm4b:s3+s26], $0x80, v3, vm0, $0xb8;
	[tilespmem:$0x10080] =	vst v63  }
0xd0: {  	s30 =	simm.s32 $0x6880  }
0xd1: {  	[tilespmem:s30], [sflag:$0x1] =	stream.indirect_vreg.gather [hbm4b:s6+s26], $0x80, v3, vm0, $0xb8;
	[tilespmem:$0x10080] =	vst v63  }
0xd2: {  	s31 =	simm.s32 $0x7080  }
0xd3: {  	[tilespmem:s31], [sflag:$0x1] =	stream.indirect_vreg.gather [hbm4b:s7+s26], $0x80, v3, vm0, $0xb8;
	[tilespmem:$0x10080] =	vst v63  }
0xd4: {  	s30 =	simm.s32 $0x7880  }
0xd5: {  	[tilespmem:s30], [sflag:$0x1] =	stream.indirect_vreg.gather [hbm4b:s8+s26], $0x80, v3, vm0, $0xb8;
	[tilespmem:$0x10080] =	vst v63  }
0xd6: {  	v3 =	vld [tilespmem:$0x20];
	_ =	sdelay $0x4  }
0xd7: {  	v4 =	vshll.u32 v3, $0x3  }
0xd8: {  	v3 =	vand.u32 $0x7, v3;
	v4 =	vand.u32 $0xFFFFFFC0, v4  }
0xd9: {  	v3 =	vor.u32 v3, v4  }
0xda: {  	v4 =	vperm.xlane v3, v0;
	_ =	sdelay $0x1  }
0xdb: {  	v4 =	vadd.s32 v1, v4;
	_ =	sdelay $0x4  }
0xdc: {  	[tilespmem:s1], [sflag:$0x1] =	stream.indirect_vreg.gather [hbm4b:s3+s26], $0x80, v4, vm0, $0xb8;
	[tilespmem:$0x10080] =	vst v63  }
0xdd: {  	v3 =	vperm.xlane v3, v2  }
0xde: {  	[tilespmem:s4], [sflag:$0x1] =	stream.indirect_vreg.gather [hbm4b:s6+s26], $0x80, v4, vm0, $0xb8;
	[tilespmem:$0x10080] =	vst v63  }
0xdf: {  	v3 =	vadd.s32 v1, v3  }
0xe0: {  	[tilespmem:s5], [sflag:$0x1] =	stream.indirect_vreg.gather [hbm4b:s7+s26], $0x80, v4, vm0, $0xb8;
	[tilespmem:$0x10080] =	vst v63  }
0xe1: {  	_ = 	snop  }
0xe2: {  	[tilespmem:s9], [sflag:$0x1] =	stream.indirect_vreg.gather [hbm4b:s8+s26], $0x80, v4, vm0, $0xb8;
	[tilespmem:$0x10080] =	vst v63  }
0xe3: {  	_ = 	snop  }
0xe4: {  	[tilespmem:s15], [sflag:$0x1] =	stream.indirect_vreg.gather [hbm4b:s3+s26], $0x80, v3, vm0, $0xb8;
	[tilespmem:$0x10080] =	vst v63  }
0xe5: {  	_ = 	snop  }
0xe6: {  	[tilespmem:s10], [sflag:$0x1] =	stream.indirect_vreg.gather [hbm4b:s6+s26], $0x80, v3, vm0, $0xb8;
	[tilespmem:$0x10080] =	vst v63  }
0xe7: {  	_ = 	snop  }
0xe8: {  	[tilespmem:s17], [sflag:$0x1] =	stream.indirect_vreg.gather [hbm4b:s7+s26], $0x80, v3, vm0, $0xb8;
	[tilespmem:$0x10080] =	vst v63  }
0xe9: {  	_ = 	snop  }
0xea: {  	[tilespmem:s11], [sflag:$0x1] =	stream.indirect_vreg.gather [hbm4b:s8+s26], $0x80, v3, vm0, $0xb8;
	[tilespmem:$0x10080] =	vst v63  }
0xeb: {  	v3 =	vld [tilespmem:$0x30];
	_ =	sdelay $0x4  }
0xec: {  	v4 =	vshll.u32 v3, $0x3  }
0xed: {  	v3 =	vand.u32 $0x7, v3;
	v4 =	vand.u32 $0xFFFFFFC0, v4  }
0xee: {  	v3 =	vor.u32 v3, v4  }
0xef: {  	v4 =	vperm.xlane v3, v0;
	_ =	sdelay $0x1  }
0xf0: {  	v4 =	vadd.s32 v1, v4;
	_ =	sdelay $0x4  }
0xf1: {  	[tilespmem:s18], [sflag:$0x1] =	stream.indirect_vreg.gather [hbm4b:s3+s26], $0x80, v4, vm0, $0xb8;
	[tilespmem:$0x10080] =	vst v63  }
0xf2: {  	v3 =	vperm.xlane v3, v2  }
0xf3: {  	[tilespmem:s12], [sflag:$0x1] =	stream.indirect_vreg.gather [hbm4b:s6+s26], $0x80, v4, vm0, $0xb8;
	[tilespmem:$0x10080] =	vst v63  }
0xf4: {  	v3 =	vadd.s32 v1, v3  }
0xf5: {  	[tilespmem:s19], [sflag:$0x1] =	stream.indirect_vreg.gather [hbm4b:s7+s26], $0x80, v4, vm0, $0xb8;
	[tilespmem:$0x10080] =	vst v63  }
0xf6: {  	_ = 	snop  }
0xf7: {  	[tilespmem:s13], [sflag:$0x1] =	stream.indirect_vreg.gather [hbm4b:s8+s26], $0x80, v4, vm0, $0xb8;
	[tilespmem:$0x10080] =	vst v63  }
0xf8: {  	_ = 	snop  }
0xf9: {  	[tilespmem:s20], [sflag:$0x1] =	stream.indirect_vreg.gather [hbm4b:s3+s26], $0x80, v3, vm0, $0xb8;
	[tilespmem:$0x10080] =	vst v63  }
0xfa: {  	_ = 	snop  }
0xfb: {  	[tilespmem:s21], [sflag:$0x1] =	stream.indirect_vreg.gather [hbm4b:s6+s26], $0x80, v3, vm0, $0xb8;
	[tilespmem:$0x10080] =	vst v63  }
0xfc: {  	_ = 	snop  }
0xfd: {  	[tilespmem:s22], [sflag:$0x1] =	stream.indirect_vreg.gather [hbm4b:s7+s26], $0x80, v3, vm0, $0xb8;
	[tilespmem:$0x10080] =	vst v63  }
0xfe: {  	s28 =	simm.s32 $0x0;
	s31 =	simm.s32 $0x0  }
0xff: {  	[tilespmem:s23], [sflag:$0x1] =	stream.indirect_vreg.gather [hbm4b:s8+s26], $0x80, v3, vm0, $0xb8;
	[tilespmem:$0x10080] =	vst v63  }
0x100: {  	s28 =	sand.u32 $0x380, s28;
	s0 =	sand.u32 $0x6000, s31;
	_ =	swait.ge [sflag:s24], $0x10000  }
0x101: {  	s0 =	sor.u32 s28, s0;
	s28 =	sand.u32 $0x1C00, s26;
	[sflag:s24] =	ssyncset.done $0x0  }
0x102: {  	s28 =	sor.u32 s28, s0;
	[sflag:s24] =	ssyncadd.s32 $0xFFFF0000  }
0x103: {  	v3 =	vld [tilespmem:s28+$0xF0]  }
0x104: {  	v5 =	vld [tilespmem:s28+$0x80F0]  }
0x105: {  	v6 =	vld [tilespmem:s28+$0x80]  }
0x106: {  	v8 =	vld [tilespmem:s28+$0x8080]  }
0x107: {  	v9 =	vld [tilespmem:s28+$0x90]  }
0x108: {  	v10 =	vld [tilespmem:s28+$0x8090]  }
0x109: {  	v4 =	vld [tilespmem:s28+$0xA0]  }
0x10a: {  	v7 =	vld [tilespmem:s28+$0x80A0];
	v5 =	vadd.f32 v5, v3  }
0x10b: {  	v8 =	vadd.f32 v8, v6;
	v3 =	vld [tilespmem:s28+$0xB0]  }
0x10c: {  	v6 =	vld [tilespmem:s28+$0x80B0];
	[tilespmem:s28+$0xF0] =	vst v5  }
0x10d: {  	s29 =	simm.s32 $0x0;
	[tilespmem:s28+$0x80] =	vst v8;
	v8 =	vadd.f32 v10, v9;
	v5 =	vld [tilespmem:s28+$0xC0]  }
.LBB2_4:
0x10e: {  	s29 =	sadd.s32 $0x8, s29;
	v9 =	vld [tilespmem:s28+$0x80C0]  }
0x10f: {  	s0 =	sshll.u32 s29, $0x4;
	s30 =	sshll.u32 s29, $0x1;
	p0 =	slt.u32 s29, $0x7F8;
	[tilespmem:s28+$0x90] =	vst v8;
	v4 =	vadd.f32 v7, v4;
	v7 =	vld [tilespmem:s28+$0xD0]  }
0x110: {  	s26 =	sadd.s32 $0x400, s26;
	s0 =	sand.u32 $0x6000, s0;
	s30 =	sand.u32 $0x380, s30;
	v8 =	vld [tilespmem:s28+$0x80D0]  }
0x111: {  	s31 =	sand.u32 $0x1C00, s26;
	s0 =	sor.u32 s30, s0;
	[tilespmem:s28+$0xA0] =	vst v4;
	v3 =	vadd.f32 v6, v3;
	v4 =	vld [tilespmem:s28+$0xE0]  }
0x112: {  	s0 =	sor.u32 s31, s0;
	v6 =	vld [tilespmem:s28+$0x80E0]  }
0x113: {  	v10 =	vld [tilespmem:s0+$0xF0];
	[tilespmem:s28+$0xB0] =	vst v3;
	v3 =	vadd.f32 v9, v5  }
0x114: {  	v5 =	vld [tilespmem:s0+$0x80F0]  }
0x115: {  	v9 =	vld [tilespmem:s0+$0x80];
	[tilespmem:s28+$0xC0] =	vst v3;
	v3 =	vadd.f32 v8, v7  }
0x116: {  	v8 =	vld [tilespmem:s0+$0x8080]  }
0x117: {  	v11 =	vld [tilespmem:s0+$0x90];
	[tilespmem:s28+$0xD0] =	vst v3;
	v3 =	vadd.f32 v6, v4  }
0x118: {  	v12 =	vld [tilespmem:s0+$0x8090]  }
.Ltmp1:
0x119: {  	v4 =	vld [tilespmem:s0+$0xA0];
	v5 =	vadd.f32 v5, v10;
	[tilespmem:s28+$0xE0] =	vst v3;
	s28 =	smov.u32 s0;
	(pc) =	sbr.rel @p0 .LBB2_4-.Ltmp1, $4  }
0x11a: {  	v7 =	vld [tilespmem:s28+$0x80A0]  }
0x11b: {  	v8 =	vadd.f32 v8, v9;
	v3 =	vld [tilespmem:s28+$0xB0];
	[tilespmem:s28+$0xF0] =	vst v5  }
0x11c: {  	v6 =	vld [tilespmem:s28+$0x80B0]  }
0x11d: {  	[tilespmem:s28+$0x80] =	vst v8;
	v8 =	vadd.f32 v12, v11;
	v5 =	vld [tilespmem:s28+$0xC0]  }
0x11e: {  	v9 =	vld [tilespmem:s28+$0x80C0]  }
0x11f: {  	v10 =	vld [tilespmem:s28+$0xD0]  }
0x120: {  	v11 =	vld [tilespmem:s28+$0x80D0]  }
0x121: {  	v12 =	vld [tilespmem:s28+$0xE0]  }
0x122: {  	v13 =	vld [tilespmem:s28+$0x80E0]  }
0x123: {  	v4 =	vadd.f32 v7, v4  }
0x124: {  	[tilespmem:s28+$0x90] =	vst v8;
	v3 =	vadd.f32 v6, v3  }
0x125: {  	[tilespmem:s28+$0xA0] =	vst v4;
	v62 =	vadd.f32 v9, v5  }
0x126: {  	[tilespmem:s28+$0xB0] =	vst v3;
	v3 =	vadd.f32 v11, v10  }
0x127: {  	v63 =	vadd.f32 v13, v12;
	[tilespmem:s28+$0xC0] =	vst v62  }
0x128: {  	[tilespmem:s28+$0xD0] =	vst v3  }
0x129: {  	[tilespmem:s28+$0xE0] =	vst v63  }
0x12a: {  	s0 =	rddreg [dreg:$0x8]  }
0x12b: {  	[hbm4b:s0+s2] =	stream.linear.scatter [tilespmem:s16], [sflag:$0x2], $0x8000, $0x38;
	[tilespmem:$0x10080] =	vst v63  }
0x12c: {  	_ =	swait.ge [sflag:s14], $0x8000  }
0x12d: {  	s25 =	sadd.s32 $0x1, s25;
	s31 =	rddreg [dreg:$0x9]  }
0x12e: {  	p0 =	sne.s32 s25, s31  }
.Ltmp2:
0x12f: {  	_ = 	snop;
	(pc) =	sbr.rel @p0 .LBB2_1-.Ltmp2, $3  }
0x130: {  	_ =	sdelay $0x1  }
0x131: {  	[sflag:s14] =	ssyncset.done $0x0  }
0x132: {  	[sflag:s14] =	ssyncadd.s32 $0xFFFF8000  }
0x133: {  	_ =	sfence.sel $0x180000  }
0x134: {  	[bflag:$0x0] =	sbarrier.arrive $0xFFFF  }
0x135: {  	_ =	strace $0x9000004A  }
0x136: {  	s0 =	stileid.u32;
	[bflag:$0x2] =	sbarrier.arrive $0xFFFF  }
0x137: {  	p0 =	sne.s32 s0, $0x0;
	s0 =	rddreg [dreg:$0x2]  }
0x138: {  	s0 =	sadd.s32 @!p0 $0x100000, s0  }
0x139: {  	[sflag:s0] =	ssyncadd.tile.s32 @!p0 $0x1;
	_ =	shalt  }
.Lfunc_end2:
_tile_overlayer_lowered:
.L_overlay_start_2:
0x13a: {  	(tag) =	ssettag $0x2  }
0x13b: {  	s0 =	rddreg [dreg:$0x0];
	s2 =	stileid.u32  }
0x13c: {  	s1 =	rddreg [dreg:$0x1];
	p0 =	sne.s32 s2, $0x0  }
0x13d: {  	s3 =	rddreg [dreg:$0x2];
	[bflag:$0x3] =	sbarrier.arrive $0xFFFF;
	s2 =	simm.s32 @!p0 $0x1C02  }
0x13e: {  	[timem:s3], [sflag:s2] =	dma.local @!p0 [hbm:s0], s1  }
0x13f: {  	s0 =	simm.s32 @!p0 $0x2  }
0x140: {  	_ =	swait.ge @!p0 [sflag:s0], s1  }
0x141: {  	s1 =	ssub.s32 @!p0 $0x0, s1;
	[sflag:s0] =	ssyncset.done @!p0 $0x0  }
0x142: {  	[sflag:s0] =	ssyncadd.s32 @!p0 s1  }
0x143: {  	[bflag:$0x3] =	sbarrier.arrive $0xFFFF  }
0x144: {  	_ =	shalt  }

</sc_bundles>
